<compile_context>
chip_gen: v7x
topology: tpu7x:2x2x1
jax: 0.10.2.dev20260603
libtpu: 0.0.44.dev20260713+nightly
codegen_flags: <defaults>
</compile_context>

<pallas_src>
import functools

import jax
import jax.numpy as jnp
from jax import lax
from jax.experimental import pallas as pl
from jax.experimental.pallas import tpu as pltpu
from jax.experimental.pallas import tpu_sc as plsc

NB = 8192
CD = 256
N = 16
T = 512
NT = N * T

CB_BLK = 1024
NCB = NB // CB_BLK

NTILES = 32
TOK_PER_TILE = NT // NTILES
NJ = TOK_PER_TILE // 128



GRP = 4096
NGRP = 2
BIG = 3.0e38


def _bf16(v):
    return v.astype(jnp.bfloat16).astype(jnp.float32)


def _dist_argmin_body(x_ref, cb_ref, idx_ref, minv, mini):
    cb_i = pl.program_id(1)
    x_blk = x_ref[0]
    cb_blk = cb_ref[...]
    m = jnp.dot(cb_blk.astype(jnp.bfloat16), x_blk.astype(jnp.bfloat16),
                preferred_element_type=jnp.float32)
    xn = jnp.sum(x_blk * x_blk, axis=0, keepdims=True)
    kn = jnp.sum(cb_blk * cb_blk, axis=1, keepdims=True)
    d = (xn - 2.0 * m) + kn
    rows = lax.broadcasted_iota(jnp.int32, d.shape, 0) + cb_i * CB_BLK

    @pl.when(cb_i == 0)
    def _():
        minv[...] = jnp.full((NGRP, T), BIG, jnp.float32)
        mini[...] = jnp.zeros((NGRP, T), jnp.int32)

    lo = 0
    for k in range(NCB):
        hi = lo + CB_BLK
        g_lo, g_hi = lo // GRP, min((hi - 1) // GRP, NGRP - 1)

        @pl.when(cb_i == k)
        def _(g_lo=g_lo, g_hi=g_hi, lo=lo, hi=hi):
            for g in range(g_lo, g_hi + 1):
                if g_lo == g_hi:
                    dg = d
                else:
                    in_g = ((rows >= g * GRP) &
                            (rows < min((g + 1) * GRP, NB)))
                    dg = jnp.where(in_g, d, BIG)
                bmin = jnp.min(dg, axis=0, keepdims=True)
                bidx = jnp.min(jnp.where(dg == bmin, rows, NB), axis=0,
                               keepdims=True)
                better = bmin < minv[g:g + 1, :]
                minv[g:g + 1, :] = jnp.where(better, bmin, minv[g:g + 1, :])
                mini[g:g + 1, :] = jnp.where(better, bidx, mini[g:g + 1, :])

        lo += CB_BLK

    @pl.when(cb_i == NCB - 1)
    def _():
        v = _bf16(minv[0:1, :])
        i = mini[0:1, :]
        for g in range(1, NGRP):
            take = minv[g:g + 1, :] < v
            v = _bf16(jnp.where(take, minv[g:g + 1, :], v))
            i = jnp.where(take, mini[g:g + 1, :], i)
        idx_ref[0] = i


def _stage_argmin(x, codebook):
    return pl.pallas_call(
        _dist_argmin_body,
        grid=(N, NCB),
        in_specs=[
            pl.BlockSpec((1, CD, T), lambda n, c: (n, 0, 0)),
            pl.BlockSpec((CB_BLK, CD), lambda n, c: (c, 0)),
        ],
        out_specs=pl.BlockSpec((1, 1, T), lambda n, c: (n, 0, 0)),
        out_shape=jax.ShapeDtypeStruct((N, 1, T), jnp.int32),
        scratch_shapes=[
            pltpu.VMEM((NGRP, T), jnp.float32),
            pltpu.VMEM((NGRP, T), jnp.int32),
        ],
    )(x, codebook)



def _sc_body(cb_hbm, idx_hbm, xd_hbm, cnt_hbm, idx_v, rows_v, ones_v, zbuf,
             hist_sh, sem):
    c = lax.axis_index("c")
    s = lax.axis_index("s")
    wid = c * 16 + s
    pltpu.sync_copy(idx_hbm.at[pl.ds(wid * NJ, NJ)], idx_v)
    handles = [
        pltpu.make_async_copy(cb_hbm.at[idx_v.at[j]], rows_v.at[j], sem)
        for j in range(NJ)
    ]
    for h in handles:
        h.start()
    for h in handles:
        h.wait()
    for j in range(NJ):
        pltpu.sync_copy(rows_v.at[j],
                        xd_hbm.at[pl.ds(wid * TOK_PER_TILE + j * 128, 128)])
    for i in range(512 // 16):
        zbuf[pl.ds(i * 16, 16)] = jnp.zeros((16,), jnp.float32)
    pltpu.sync_copy(zbuf, hist_sh.at[pl.ds(s * 512, 512)])
    for j in range(NJ):
        for i in range(128 // 16):
            ones_v[j, pl.ds(i * 16, 16)] = jnp.full((16,), 1.0, jnp.float32)
    plsc.subcore_barrier()
    for j in range(NJ):
        pltpu.sync_copy(ones_v.at[j], hist_sh.at[idx_v.at[j]], add=True)
    plsc.subcore_barrier()
    pltpu.sync_copy(hist_sh.at[pl.ds(s * 512, 512)],
                    cnt_hbm.at[c, pl.ds(s * 512, 512)])


@functools.cache
def _sc_gather_hist():
    return pl.kernel(
        _sc_body,
        out_type=[
            jax.ShapeDtypeStruct((NT, CD), jnp.float32),
            jax.ShapeDtypeStruct((2, NB), jnp.float32),
        ],
        mesh=plsc.VectorSubcoreMesh(core_axis_name="c", subcore_axis_name="s"),
        scratch_types=[
            pltpu.VMEM((NJ, 128), jnp.int32),
            pltpu.VMEM((NJ, 128, CD), jnp.float32),
            pltpu.VMEM((NJ, 128), jnp.float32),
            pltpu.VMEM((512,), jnp.float32),
            pltpu.VMEM_SHARED((NB,), jnp.float32),
            pltpu.SemaphoreType.DMA,
        ],
    )



def _finalize_body(xd_ref, x_ref, cnt_ref, out_ref, commit_ref, perp_ref,
                   acc):
    n = pl.program_id(0)
    o = jnp.transpose(xd_ref[0], (1, 0))
    out_ref[0] = o
    psum = jnp.sum((x_ref[0] - o) ** 2).reshape(1, 1)

    @pl.when(n == 0)
    def _():
        acc[...] = psum
        code_count = cnt_ref[0] + cnt_ref[1]
        total = jnp.sum(code_count)
        prob = code_count / total
        perp_ref[...] = jnp.exp(
            -jnp.sum(prob * jnp.log(prob + 1e-7))).reshape(1, 1)

    @pl.when(n > 0)
    def _():
        acc[...] = acc[...] + psum

    @pl.when(n == N - 1)
    def _():
        commit_ref[...] = acc[...] / (NT * CD)


def _stage_finalize(xd, x, cnt):
    return pl.pallas_call(
        _finalize_body,
        grid=(N,),
        in_specs=[
            pl.BlockSpec((1, T, CD), lambda n: (n, 0, 0)),
            pl.BlockSpec((1, CD, T), lambda n: (n, 0, 0)),
            pl.BlockSpec((2, NB), lambda n: (0, 0)),
        ],
        out_specs=[
            pl.BlockSpec((1, CD, T), lambda n: (n, 0, 0)),
            pl.BlockSpec((1, 1), lambda n: (0, 0)),
            pl.BlockSpec((1, 1), lambda n: (0, 0)),
        ],
        out_shape=[
            jax.ShapeDtypeStruct((N, CD, T), jnp.float32),
            jax.ShapeDtypeStruct((1, 1), jnp.float32),
            jax.ShapeDtypeStruct((1, 1), jnp.float32),
        ],
        scratch_shapes=[pltpu.VMEM((1, 1), jnp.float32)],
    )(xd, x, cnt)


def kernel(x, codebook):
    code_idx = _stage_argmin(x, codebook)
    idx2 = code_idx.reshape(NT // 128, 128)
    xd, cnt = _sc_gather_hist()(codebook, idx2)
    out, commit, perp = _stage_finalize(xd.reshape(N, T, CD), x, cnt)
    return out, commit.reshape(()), perp.reshape(())

# --- scband reference (transcript-rebuilt; emitter-appended) ---
"""Pipeline reference for scband-quantizer-emareset-10479720202871 (READ-ONLY COPY).

The authoritative reference and input builder live on the scoring server;
editing this copy changes nothing except your own understanding.
"""

import jax, jax.numpy as jnp
import numpy as np

NB_CODE = 8192
CODE_DIM = 256

def setup_inputs(seed: int = 0) -> dict:
    key = jax.random.key(seed)
    k1, k2 = jax.random.split(key)
    x = jax.random.normal(k1, (16, CODE_DIM, 512), dtype=jnp.float32)
    # learned codebook buffer (post-init state; eval-mode forward)
    codebook = jax.random.normal(k2, (NB_CODE, CODE_DIM), dtype=jnp.float32)
    return {"x": x, "codebook": codebook}

def reference(x, codebook):
    # eval-mode forward of QuantizerEMAReset (training=False, return_idx=False, temperature=0.0)
    N, C, T = x.shape
    # preprocess: 'n c t -> (n t) c'
    xf = jnp.transpose(x, (0, 2, 1)).reshape(N * T, C)
    # quantize: squared L2 distance to codebook, argmax of -distance (no gumbel in eval)
    k_w = codebook.T  # (code_dim, nb_code)
    distance = (jnp.sum(xf ** 2, axis=-1, keepdims=True)
                - 2.0 * (xf @ k_w)
                + jnp.sum(k_w ** 2, axis=0, keepdims=True))
    code_idx = jnp.argmax(-distance, axis=-1)
    # dequantize: embedding lookup
    x_d = jnp.take(codebook, code_idx, axis=0)
    # compute_perplexity (eval path)
    code_count = jnp.bincount(code_idx, length=NB_CODE).astype(jnp.float32)
    prob = code_count / jnp.sum(code_count)
    perplexity = jnp.exp(-jnp.sum(prob * jnp.log(prob + 1e-7)))
    # commitment loss (x_d detached)
    commit_loss = jnp.mean((xf - jax.lax.stop_gradient(x_d)) ** 2)
    # straight-through estimator
    x_d_st = xf + jax.lax.stop_gradient(x_d - xf)
    out = jnp.transpose(x_d_st.reshape(N, T, C), (0, 2, 1))
    return (out, commit_loss, perplexity)

if __name__ == "__main__":
    import jax
    _d = setup_inputs()
    print(jax.jit(kernel)(*tuple(_d.values())))

</pallas_src>

<mosaic_0001>
#map = affine_map<(d0, d1) -> (0, 0)>
module attributes {stable_mosaic.version = 14 : i64} {
  func.func @_sc_body(%arg0: i32, %arg1: i32, %arg2: memref<8192x256xf32, #tpu.memory_space<hbm>>, %arg3: memref<64x128xi32, #tpu.memory_space<hbm>>, %arg4: memref<8192x256xf32, #tpu.memory_space<hbm>>, %arg5: memref<2x8192xf32, #tpu.memory_space<hbm>>, %arg6: memref<2x128xi32, #tpu.memory_space<vmem>>, %arg7: memref<2x128x256xf32, #tpu.memory_space<vmem>>, %arg8: memref<2x128xf32, #tpu.memory_space<vmem>>, %arg9: memref<512xf32, #tpu.memory_space<vmem>>, %arg10: memref<8192xf32, #tpu.memory_space<vmem_shared>>, %arg11: memref<!tpu.dma_semaphore, #tpu.memory_space<semaphore_mem>>) attributes {dimension_semantics = [#tpu.dimension_semantics<core_parallel>, #tpu.dimension_semantics<subcore_parallel>], iteration_bounds = array<i64: 2, 16>, scalar_prefetch = 0 : i64, scratch_operands = 6 : i64, tpu.core_type = #tpu.core_type<sc_vector_subcore>, window_params = [{transform_indices = #map}, {transform_indices = #map}, {transform_indices = #map}, {transform_indices = #map}]} {
    %mul3A = arith.constant 16 : i32
    %mul3A_0 = arith.muli %arg0, %mul3A : i32
    %add3A = arith.addi %mul3A_0, %arg1 : i32
    %mul3A_1 = arith.constant 2 : i32
    %mul3A_2 = arith.muli %add3A, %mul3A_1 : i32
    "tpu.region"() ({
      %run_scoped3A_387 = tpu.sem_alloc : memref<!tpu.dma_semaphore, #tpu.memory_space<semaphore_mem>>
      %dma_start3A_388 = arith.constant 0 : i32
      %dma_start3A_389 = tpu.memref_slice %arg3[%mul3A_2, %dma_start3A_388] : memref<64x128xi32, #tpu.memory_space<hbm>> -> memref<2x128xi32, #tpu.memory_space<hbm>>
      %dma_start3A_390 = arith.constant 0 : i32
      %dma_start3A_391 = tpu.memref_slice %arg3[%mul3A_2, %dma_start3A_390] : memref<64x128xi32, #tpu.memory_space<hbm>> -> memref<2x128xi32, #tpu.memory_space<hbm>>
      tpu.enqueue_dma source(%dma_start3A_391 : memref<2x128xi32, #tpu.memory_space<hbm>>) target(%arg6 : memref<2x128xi32, #tpu.memory_space<vmem>>) target_semaphore(%run_scoped3A_387 : memref<!tpu.dma_semaphore, #tpu.memory_space<semaphore_mem>>)
      %dma_wait3A_392 = arith.constant 0 : i32
      %dma_wait3A_393 = tpu.memref_slice %arg3[%mul3A_2, %dma_wait3A_392] : memref<64x128xi32, #tpu.memory_space<hbm>> -> memref<2x128xi32, #tpu.memory_space<hbm>>
      %dma_wait3A_394 = arith.constant 0 : i32
      %dma_wait3A_395 = tpu.memref_slice %arg3[%mul3A_2, %dma_wait3A_394] : memref<64x128xi32, #tpu.memory_space<hbm>> -> memref<2x128xi32, #tpu.memory_space<hbm>>
      tpu.wait_dma2 semaphore(%run_scoped3A_387 : memref<!tpu.dma_semaphore, #tpu.memory_space<semaphore_mem>>) src(%dma_wait3A_395 : memref<2x128xi32, #tpu.memory_space<hbm>>) dst(%arg6 : memref<2x128xi32, #tpu.memory_space<vmem>>)
      tpu.yield
    }) : () -> ()
    %dma_start3A = arith.constant 0 : i32
    %dma_start3A_3 = arith.constant 0 : i32
    %dma_start3A_4 = arith.constant 0 : i32
    %dma_start3A_5 = arith.constant 0 : i32
    %dma_start3A_6 = tpu.memref_slice %arg7[%dma_start3A_3, %dma_start3A_4, %dma_start3A_5] : memref<2x128x256xf32, #tpu.memory_space<vmem>> -> memref<1x128x256xf32, #tpu.memory_space<vmem>>
    %dma_start3A_7 = tpu.memref_squeeze %dma_start3A_6 : memref<1x128x256xf32, #tpu.memory_space<vmem>> -> memref<128x256xf32, #tpu.memory_space<vmem>>
    %dma_start3A_8 = arith.constant 0 : i32
    %dma_start3A_9 = tpu.memref_slice %arg6[%dma_start3A, %dma_start3A_8] : memref<2x128xi32, #tpu.memory_space<vmem>> -> memref<1x128xi32, #tpu.memory_space<vmem>>
    %dma_start3A_10 = tpu.memref_squeeze %dma_start3A_9 : memref<1x128xi32, #tpu.memory_space<vmem>> -> memref<128xi32, #tpu.memory_space<vmem>>
    %dma_start3A_11 = arith.constant 0 : i32
    %dma_start3A_12 = arith.constant 0 : i32
    %dma_start3A_13 = tpu.memref_slice %arg2[%dma_start3A_11, %dma_start3A_12] : memref<8192x256xf32, #tpu.memory_space<hbm>> -> memref<8192x256xf32, #tpu.memory_space<hbm>>
    tpu.enqueue_indirect_dma source(%dma_start3A_13 : memref<8192x256xf32, #tpu.memory_space<hbm>>) target(%dma_start3A_7 : memref<128x256xf32, #tpu.memory_space<vmem>>) offsets(%dma_start3A_10 : memref<128xi32, #tpu.memory_space<vmem>>) semaphore(%arg11 : memref<!tpu.dma_semaphore, #tpu.memory_space<semaphore_mem>>)
    %dma_start3A_14 = arith.constant 1 : i32
    %dma_start3A_15 = arith.constant 1 : i32
    %dma_start3A_16 = arith.constant 0 : i32
    %dma_start3A_17 = arith.constant 0 : i32
    %dma_start3A_18 = tpu.memref_slice %arg7[%dma_start3A_15, %dma_start3A_16, %dma_start3A_17] : memref<2x128x256xf32, #tpu.memory_space<vmem>> -> memref<1x128x256xf32, #tpu.memory_space<vmem>>
    %dma_start3A_19 = tpu.memref_squeeze %dma_start3A_18 : memref<1x128x256xf32, #tpu.memory_space<vmem>> -> memref<128x256xf32, #tpu.memory_space<vmem>>
    %dma_start3A_20 = arith.constant 0 : i32
    %dma_start3A_21 = tpu.memref_slice %arg6[%dma_start3A_14, %dma_start3A_20] : memref<2x128xi32, #tpu.memory_space<vmem>> -> memref<1x128xi32, #tpu.memory_space<vmem>>
    %dma_start3A_22 = tpu.memref_squeeze %dma_start3A_21 : memref<1x128xi32, #tpu.memory_space<vmem>> -> memref<128xi32, #tpu.memory_space<vmem>>
    %dma_start3A_23 = arith.constant 0 : i32
    %dma_start3A_24 = arith.constant 0 : i32
    %dma_start3A_25 = tpu.memref_slice %arg2[%dma_start3A_23, %dma_start3A_24] : memref<8192x256xf32, #tpu.memory_space<hbm>> -> memref<8192x256xf32, #tpu.memory_space<hbm>>
    tpu.enqueue_indirect_dma source(%dma_start3A_25 : memref<8192x256xf32, #tpu.memory_space<hbm>>) target(%dma_start3A_19 : memref<128x256xf32, #tpu.memory_space<vmem>>) offsets(%dma_start3A_22 : memref<128xi32, #tpu.memory_space<vmem>>) semaphore(%arg11 : memref<!tpu.dma_semaphore, #tpu.memory_space<semaphore_mem>>)
    %dma_wait3A = arith.constant 0 : i32
    %dma_wait3A_26 = arith.constant 0 : i32
    %dma_wait3A_27 = arith.constant 0 : i32
    %dma_wait3A_28 = arith.constant 0 : i32
    %dma_wait3A_29 = tpu.memref_slice %arg7[%dma_wait3A_26, %dma_wait3A_27, %dma_wait3A_28] : memref<2x128x256xf32, #tpu.memory_space<vmem>> -> memref<1x128x256xf32, #tpu.memory_space<vmem>>
    %dma_wait3A_30 = tpu.memref_squeeze %dma_wait3A_29 : memref<1x128x256xf32, #tpu.memory_space<vmem>> -> memref<128x256xf32, #tpu.memory_space<vmem>>
    %dma_wait3A_31 = arith.constant 0 : i32
    %dma_wait3A_32 = tpu.memref_slice %arg6[%dma_wait3A, %dma_wait3A_31] : memref<2x128xi32, #tpu.memory_space<vmem>> -> memref<1x128xi32, #tpu.memory_space<vmem>>
    %dma_wait3A_33 = tpu.memref_squeeze %dma_wait3A_32 : memref<1x128xi32, #tpu.memory_space<vmem>> -> memref<128xi32, #tpu.memory_space<vmem>>
    %dma_wait3A_34 = arith.constant 0 : i32
    %dma_wait3A_35 = arith.constant 0 : i32
    %dma_wait3A_36 = tpu.memref_slice %arg2[%dma_wait3A_34, %dma_wait3A_35] : memref<8192x256xf32, #tpu.memory_space<hbm>> -> memref<8192x256xf32, #tpu.memory_space<hbm>>
    tpu.wait_indirect_dma semaphore(%arg11 : memref<!tpu.dma_semaphore, #tpu.memory_space<semaphore_mem>>) src(%dma_wait3A_36 : memref<8192x256xf32, #tpu.memory_space<hbm>>) dst(%dma_wait3A_30 : memref<128x256xf32, #tpu.memory_space<vmem>>)
    %dma_wait3A_37 = arith.constant 1 : i32
    %dma_wait3A_38 = arith.constant 1 : i32
    %dma_wait3A_39 = arith.constant 0 : i32
    %dma_wait3A_40 = arith.constant 0 : i32
    %dma_wait3A_41 = tpu.memref_slice %arg7[%dma_wait3A_38, %dma_wait3A_39, %dma_wait3A_40] : memref<2x128x256xf32, #tpu.memory_space<vmem>> -> memref<1x128x256xf32, #tpu.memory_space<vmem>>
    %dma_wait3A_42 = tpu.memref_squeeze %dma_wait3A_41 : memref<1x128x256xf32, #tpu.memory_space<vmem>> -> memref<128x256xf32, #tpu.memory_space<vmem>>
    %dma_wait3A_43 = arith.constant 0 : i32
    %dma_wait3A_44 = tpu.memref_slice %arg6[%dma_wait3A_37, %dma_wait3A_43] : memref<2x128xi32, #tpu.memory_space<vmem>> -> memref<1x128xi32, #tpu.memory_space<vmem>>
    %dma_wait3A_45 = tpu.memref_squeeze %dma_wait3A_44 : memref<1x128xi32, #tpu.memory_space<vmem>> -> memref<128xi32, #tpu.memory_space<vmem>>
    %dma_wait3A_46 = arith.constant 0 : i32
    %dma_wait3A_47 = arith.constant 0 : i32
    %dma_wait3A_48 = tpu.memref_slice %arg2[%dma_wait3A_46, %dma_wait3A_47] : memref<8192x256xf32, #tpu.memory_space<hbm>> -> memref<8192x256xf32, #tpu.memory_space<hbm>>
    tpu.wait_indirect_dma semaphore(%arg11 : memref<!tpu.dma_semaphore, #tpu.memory_space<semaphore_mem>>) src(%dma_wait3A_48 : memref<8192x256xf32, #tpu.memory_space<hbm>>) dst(%dma_wait3A_42 : memref<128x256xf32, #tpu.memory_space<vmem>>)
    %mul3A_49 = arith.constant 256 : i32
    %mul3A_50 = arith.muli %add3A, %mul3A_49 : i32
    %add3A_51 = arith.constant 0 : i32
    %add3A_52 = arith.addi %mul3A_50, %add3A_51 : i32
    %run_scoped3A = arith.constant 0 : i32
    "tpu.region"() ({
      %run_scoped3A_387 = tpu.sem_alloc : memref<!tpu.dma_semaphore, #tpu.memory_space<semaphore_mem>>
      %dma_start3A_388 = arith.constant 0 : i32
      %dma_start3A_389 = arith.constant 0 : i32
      %dma_start3A_390 = tpu.memref_slice %arg7[%run_scoped3A, %dma_start3A_388, %dma_start3A_389] : memref<2x128x256xf32, #tpu.memory_space<vmem>> -> memref<1x128x256xf32, #tpu.memory_space<vmem>>
      %dma_start3A_391 = tpu.memref_squeeze %dma_start3A_390 : memref<1x128x256xf32, #tpu.memory_space<vmem>> -> memref<128x256xf32, #tpu.memory_space<vmem>>
      %dma_start3A_392 = arith.constant 0 : i32
      %dma_start3A_393 = tpu.memref_slice %arg4[%add3A_52, %dma_start3A_392] : memref<8192x256xf32, #tpu.memory_space<hbm>> -> memref<128x256xf32, #tpu.memory_space<hbm>>
      %dma_start3A_394 = arith.constant 0 : i32
      %dma_start3A_395 = tpu.memref_slice %arg4[%add3A_52, %dma_start3A_394] : memref<8192x256xf32, #tpu.memory_space<hbm>> -> memref<128x256xf32, #tpu.memory_space<hbm>>
      %dma_start3A_396 = arith.constant 0 : i32
      %dma_start3A_397 = arith.constant 0 : i32
      %dma_start3A_398 = tpu.memref_slice %arg7[%run_scoped3A, %dma_start3A_396, %dma_start3A_397] : memref<2x128x256xf32, #tpu.memory_space<vmem>> -> memref<1x128x256xf32, #tpu.memory_space<vmem>>
      %dma_start3A_399 = tpu.memref_squeeze %dma_start3A_398 : memref<1x128x256xf32, #tpu.memory_space<vmem>> -> memref<128x256xf32, #tpu.memory_space<vmem>>
      tpu.enqueue_dma source(%dma_start3A_399 : memref<128x256xf32, #tpu.memory_space<vmem>>) target(%dma_start3A_395 : memref<128x256xf32, #tpu.memory_space<hbm>>) target_semaphore(%run_scoped3A_387 : memref<!tpu.dma_semaphore, #tpu.memory_space<semaphore_mem>>)
      %dma_wait3A_400 = arith.constant 0 : i32
      %dma_wait3A_401 = arith.constant 0 : i32
      %dma_wait3A_402 = tpu.memref_slice %arg7[%run_scoped3A, %dma_wait3A_400, %dma_wait3A_401] : memref<2x128x256xf32, #tpu.memory_space<vmem>> -> memref<1x128x256xf32, #tpu.memory_space<vmem>>
      %dma_wait3A_403 = tpu.memref_squeeze %dma_wait3A_402 : memref<1x128x256xf32, #tpu.memory_space<vmem>> -> memref<128x256xf32, #tpu.memory_space<vmem>>
      %dma_wait3A_404 = arith.constant 0 : i32
      %dma_wait3A_405 = tpu.memref_slice %arg4[%add3A_52, %dma_wait3A_404] : memref<8192x256xf32, #tpu.memory_space<hbm>> -> memref<128x256xf32, #tpu.memory_space<hbm>>
      %dma_wait3A_406 = arith.constant 0 : i32
      %dma_wait3A_407 = tpu.memref_slice %arg4[%add3A_52, %dma_wait3A_406] : memref<8192x256xf32, #tpu.memory_space<hbm>> -> memref<128x256xf32, #tpu.memory_space<hbm>>
      %dma_wait3A_408 = arith.constant 0 : i32
      %dma_wait3A_409 = arith.constant 0 : i32
      %dma_wait3A_410 = tpu.memref_slice %arg7[%run_scoped3A, %dma_wait3A_408, %dma_wait3A_409] : memref<2x128x256xf32, #tpu.memory_space<vmem>> -> memref<1x128x256xf32, #tpu.memory_space<vmem>>
      %dma_wait3A_411 = tpu.memref_squeeze %dma_wait3A_410 : memref<1x128x256xf32, #tpu.memory_space<vmem>> -> memref<128x256xf32, #tpu.memory_space<vmem>>
      tpu.wait_dma2 semaphore(%run_scoped3A_387 : memref<!tpu.dma_semaphore, #tpu.memory_space<semaphore_mem>>) src(%dma_wait3A_411 : memref<128x256xf32, #tpu.memory_space<vmem>>) dst(%dma_wait3A_407 : memref<128x256xf32, #tpu.memory_space<hbm>>)
      tpu.yield
    }) : () -> ()
    %mul3A_53 = arith.constant 256 : i32
    %mul3A_54 = arith.muli %add3A, %mul3A_53 : i32
    %add3A_55 = arith.constant 128 : i32
    %add3A_56 = arith.addi %mul3A_54, %add3A_55 : i32
    %run_scoped3A_57 = arith.constant 1 : i32
    "tpu.region"() ({
      %run_scoped3A_387 = tpu.sem_alloc : memref<!tpu.dma_semaphore, #tpu.memory_space<semaphore_mem>>
      %dma_start3A_388 = arith.constant 0 : i32
      %dma_start3A_389 = arith.constant 0 : i32
      %dma_start3A_390 = tpu.memref_slice %arg7[%run_scoped3A_57, %dma_start3A_388, %dma_start3A_389] : memref<2x128x256xf32, #tpu.memory_space<vmem>> -> memref<1x128x256xf32, #tpu.memory_space<vmem>>
      %dma_start3A_391 = tpu.memref_squeeze %dma_start3A_390 : memref<1x128x256xf32, #tpu.memory_space<vmem>> -> memref<128x256xf32, #tpu.memory_space<vmem>>
      %dma_start3A_392 = arith.constant 0 : i32
      %dma_start3A_393 = tpu.memref_slice %arg4[%add3A_56, %dma_start3A_392] : memref<8192x256xf32, #tpu.memory_space<hbm>> -> memref<128x256xf32, #tpu.memory_space<hbm>>
      %dma_start3A_394 = arith.constant 0 : i32
      %dma_start3A_395 = tpu.memref_slice %arg4[%add3A_56, %dma_start3A_394] : memref<8192x256xf32, #tpu.memory_space<hbm>> -> memref<128x256xf32, #tpu.memory_space<hbm>>
      %dma_start3A_396 = arith.constant 0 : i32
      %dma_start3A_397 = arith.constant 0 : i32
      %dma_start3A_398 = tpu.memref_slice %arg7[%run_scoped3A_57, %dma_start3A_396, %dma_start3A_397] : memref<2x128x256xf32, #tpu.memory_space<vmem>> -> memref<1x128x256xf32, #tpu.memory_space<vmem>>
      %dma_start3A_399 = tpu.memref_squeeze %dma_start3A_398 : memref<1x128x256xf32, #tpu.memory_space<vmem>> -> memref<128x256xf32, #tpu.memory_space<vmem>>
      tpu.enqueue_dma source(%dma_start3A_399 : memref<128x256xf32, #tpu.memory_space<vmem>>) target(%dma_start3A_395 : memref<128x256xf32, #tpu.memory_space<hbm>>) target_semaphore(%run_scoped3A_387 : memref<!tpu.dma_semaphore, #tpu.memory_space<semaphore_mem>>)
      %dma_wait3A_400 = arith.constant 0 : i32
      %dma_wait3A_401 = arith.constant 0 : i32
      %dma_wait3A_402 = tpu.memref_slice %arg7[%run_scoped3A_57, %dma_wait3A_400, %dma_wait3A_401] : memref<2x128x256xf32, #tpu.memory_space<vmem>> -> memref<1x128x256xf32, #tpu.memory_space<vmem>>
      %dma_wait3A_403 = tpu.memref_squeeze %dma_wait3A_402 : memref<1x128x256xf32, #tpu.memory_space<vmem>> -> memref<128x256xf32, #tpu.memory_space<vmem>>
      %dma_wait3A_404 = arith.constant 0 : i32
      %dma_wait3A_405 = tpu.memref_slice %arg4[%add3A_56, %dma_wait3A_404] : memref<8192x256xf32, #tpu.memory_space<hbm>> -> memref<128x256xf32, #tpu.memory_space<hbm>>
      %dma_wait3A_406 = arith.constant 0 : i32
      %dma_wait3A_407 = tpu.memref_slice %arg4[%add3A_56, %dma_wait3A_406] : memref<8192x256xf32, #tpu.memory_space<hbm>> -> memref<128x256xf32, #tpu.memory_space<hbm>>
      %dma_wait3A_408 = arith.constant 0 : i32
      %dma_wait3A_409 = arith.constant 0 : i32
      %dma_wait3A_410 = tpu.memref_slice %arg7[%run_scoped3A_57, %dma_wait3A_408, %dma_wait3A_409] : memref<2x128x256xf32, #tpu.memory_space<vmem>> -> memref<1x128x256xf32, #tpu.memory_space<vmem>>
      %dma_wait3A_411 = tpu.memref_squeeze %dma_wait3A_410 : memref<1x128x256xf32, #tpu.memory_space<vmem>> -> memref<128x256xf32, #tpu.memory_space<vmem>>
      tpu.wait_dma2 semaphore(%run_scoped3A_387 : memref<!tpu.dma_semaphore, #tpu.memory_space<semaphore_mem>>) src(%dma_wait3A_411 : memref<128x256xf32, #tpu.memory_space<vmem>>) dst(%dma_wait3A_407 : memref<128x256xf32, #tpu.memory_space<hbm>>)
      tpu.yield
    }) : () -> ()
    %broadcast_in_dim3A = arith.constant 0.000000e+00 : f32
    %broadcast_in_dim3A_58 = vector.broadcast %broadcast_in_dim3A : f32 to vector<16xf32>
    %swap3A = arith.constant 0 : index
    %swap3A_59 = tpu.vector_load %arg9[%swap3A] {strides = array<i32>} : memref<512xf32, #tpu.memory_space<vmem>>, vector<16xf32>,
    %swap3A_60 = vector.shape_cast %swap3A_59 : vector<16xf32> to vector<16xf32>
    %swap3A_61 = vector.shape_cast %broadcast_in_dim3A_58 : vector<16xf32> to vector<16xf32>
    tpu.vector_store %arg9[%swap3A], %swap3A_61 {strides = array<i32>} : memref<512xf32, #tpu.memory_space<vmem>>, vector<16xf32>,
    %broadcast_in_dim3A_62 = arith.constant 0.000000e+00 : f32
    %broadcast_in_dim3A_63 = vector.broadcast %broadcast_in_dim3A_62 : f32 to vector<16xf32>
    %swap3A_64 = arith.constant 16 : index
    %swap3A_65 = tpu.vector_load %arg9[%swap3A_64] {strides = array<i32>} : memref<512xf32, #tpu.memory_space<vmem>>, vector<16xf32>,
    %swap3A_66 = vector.shape_cast %swap3A_65 : vector<16xf32> to vector<16xf32>
    %swap3A_67 = vector.shape_cast %broadcast_in_dim3A_63 : vector<16xf32> to vector<16xf32>
    tpu.vector_store %arg9[%swap3A_64], %swap3A_67 {strides = array<i32>} : memref<512xf32, #tpu.memory_space<vmem>>, vector<16xf32>,
    %broadcast_in_dim3A_68 = arith.constant 0.000000e+00 : f32
    %broadcast_in_dim3A_69 = vector.broadcast %broadcast_in_dim3A_68 : f32 to vector<16xf32>
    %swap3A_70 = arith.constant 32 : index
    %swap3A_71 = tpu.vector_load %arg9[%swap3A_70] {strides = array<i32>} : memref<512xf32, #tpu.memory_space<vmem>>, vector<16xf32>,
    %swap3A_72 = vector.shape_cast %swap3A_71 : vector<16xf32> to vector<16xf32>
    %swap3A_73 = vector.shape_cast %broadcast_in_dim3A_69 : vector<16xf32> to vector<16xf32>
    tpu.vector_store %arg9[%swap3A_70], %swap3A_73 {strides = array<i32>} : memref<512xf32, #tpu.memory_space<vmem>>, vector<16xf32>,
    %broadcast_in_dim3A_74 = arith.constant 0.000000e+00 : f32
    %broadcast_in_dim3A_75 = vector.broadcast %broadcast_in_dim3A_74 : f32 to vector<16xf32>
    %swap3A_76 = arith.constant 48 : index
    %swap3A_77 = tpu.vector_load %arg9[%swap3A_76] {strides = array<i32>} : memref<512xf32, #tpu.memory_space<vmem>>, vector<16xf32>,
    %swap3A_78 = vector.shape_cast %swap3A_77 : vector<16xf32> to vector<16xf32>
    %swap3A_79 = vector.shape_cast %broadcast_in_dim3A_75 : vector<16xf32> to vector<16xf32>
    tpu.vector_store %arg9[%swap3A_76], %swap3A_79 {strides = array<i32>} : memref<512xf32, #tpu.memory_space<vmem>>, vector<16xf32>,
    %broadcast_in_dim3A_80 = arith.constant 0.000000e+00 : f32
    %broadcast_in_dim3A_81 = vector.broadcast %broadcast_in_dim3A_80 : f32 to vector<16xf32>
    %swap3A_82 = arith.constant 64 : index
    %swap3A_83 = tpu.vector_load %arg9[%swap3A_82] {strides = array<i32>} : memref<512xf32, #tpu.memory_space<vmem>>, vector<16xf32>,
    %swap3A_84 = vector.shape_cast %swap3A_83 : vector<16xf32> to vector<16xf32>
    %swap3A_85 = vector.shape_cast %broadcast_in_dim3A_81 : vector<16xf32> to vector<16xf32>
    tpu.vector_store %arg9[%swap3A_82], %swap3A_85 {strides = array<i32>} : memref<512xf32, #tpu.memory_space<vmem>>, vector<16xf32>,
    %broadcast_in_dim3A_86 = arith.constant 0.000000e+00 : f32
    %broadcast_in_dim3A_87 = vector.broadcast %broadcast_in_dim3A_86 : f32 to vector<16xf32>
    %swap3A_88 = arith.constant 80 : index
    %swap3A_89 = tpu.vector_load %arg9[%swap3A_88] {strides = array<i32>} : memref<512xf32, #tpu.memory_space<vmem>>, vector<16xf32>,
    %swap3A_90 = vector.shape_cast %swap3A_89 : vector<16xf32> to vector<16xf32>
    %swap3A_91 = vector.shape_cast %broadcast_in_dim3A_87 : vector<16xf32> to vector<16xf32>
    tpu.vector_store %arg9[%swap3A_88], %swap3A_91 {strides = array<i32>} : memref<512xf32, #tpu.memory_space<vmem>>, vector<16xf32>,
    %broadcast_in_dim3A_92 = arith.constant 0.000000e+00 : f32
    %broadcast_in_dim3A_93 = vector.broadcast %broadcast_in_dim3A_92 : f32 to vector<16xf32>
    %swap3A_94 = arith.constant 96 : index
    %swap3A_95 = tpu.vector_load %arg9[%swap3A_94] {strides = array<i32>} : memref<512xf32, #tpu.memory_space<vmem>>, vector<16xf32>,
    %swap3A_96 = vector.shape_cast %swap3A_95 : vector<16xf32> to vector<16xf32>
    %swap3A_97 = vector.shape_cast %broadcast_in_dim3A_93 : vector<16xf32> to vector<16xf32>
    tpu.vector_store %arg9[%swap3A_94], %swap3A_97 {strides = array<i32>} : memref<512xf32, #tpu.memory_space<vmem>>, vector<16xf32>,
    %broadcast_in_dim3A_98 = arith.constant 0.000000e+00 : f32
    %broadcast_in_dim3A_99 = vector.broadcast %broadcast_in_dim3A_98 : f32 to vector<16xf32>
    %swap3A_100 = arith.constant 112 : index
    %swap3A_101 = tpu.vector_load %arg9[%swap3A_100] {strides = array<i32>} : memref<512xf32, #tpu.memory_space<vmem>>, vector<16xf32>,
    %swap3A_102 = vector.shape_cast %swap3A_101 : vector<16xf32> to vector<16xf32>
    %swap3A_103 = vector.shape_cast %broadcast_in_dim3A_99 : vector<16xf32> to vector<16xf32>
    tpu.vector_store %arg9[%swap3A_100], %swap3A_103 {strides = array<i32>} : memref<512xf32, #tpu.memory_space<vmem>>, vector<16xf32>,
    %broadcast_in_dim3A_104 = arith.constant 0.000000e+00 : f32
    %broadcast_in_dim3A_105 = vector.broadcast %broadcast_in_dim3A_104 : f32 to vector<16xf32>
    %swap3A_106 = arith.constant 128 : index
    %swap3A_107 = tpu.vector_load %arg9[%swap3A_106] {strides = array<i32>} : memref<512xf32, #tpu.memory_space<vmem>>, vector<16xf32>,
    %swap3A_108 = vector.shape_cast %swap3A_107 : vector<16xf32> to vector<16xf32>
    %swap3A_109 = vector.shape_cast %broadcast_in_dim3A_105 : vector<16xf32> to vector<16xf32>
    tpu.vector_store %arg9[%swap3A_106], %swap3A_109 {strides = array<i32>} : memref<512xf32, #tpu.memory_space<vmem>>, vector<16xf32>,
    %broadcast_in_dim3A_110 = arith.constant 0.000000e+00 : f32
    %broadcast_in_dim3A_111 = vector.broadcast %broadcast_in_dim3A_110 : f32 to vector<16xf32>
    %swap3A_112 = arith.constant 144 : index
    %swap3A_113 = tpu.vector_load %arg9[%swap3A_112] {strides = array<i32>} : memref<512xf32, #tpu.memory_space<vmem>>, vector<16xf32>,
    %swap3A_114 = vector.shape_cast %swap3A_113 : vector<16xf32> to vector<16xf32>
    %swap3A_115 = vector.shape_cast %broadcast_in_dim3A_111 : vector<16xf32> to vector<16xf32>
    tpu.vector_store %arg9[%swap3A_112], %swap3A_115 {strides = array<i32>} : memref<512xf32, #tpu.memory_space<vmem>>, vector<16xf32>,
    %broadcast_in_dim3A_116 = arith.constant 0.000000e+00 : f32
    %broadcast_in_dim3A_117 = vector.broadcast %broadcast_in_dim3A_116 : f32 to vector<16xf32>
    %swap3A_118 = arith.constant 160 : index
    %swap3A_119 = tpu.vector_load %arg9[%swap3A_118] {strides = array<i32>} : memref<512xf32, #tpu.memory_space<vmem>>, vector<16xf32>,
    %swap3A_120 = vector.shape_cast %swap3A_119 : vector<16xf32> to vector<16xf32>
    %swap3A_121 = vector.shape_cast %broadcast_in_dim3A_117 : vector<16xf32> to vector<16xf32>
    tpu.vector_store %arg9[%swap3A_118], %swap3A_121 {strides = array<i32>} : memref<512xf32, #tpu.memory_space<vmem>>, vector<16xf32>,
    %broadcast_in_dim3A_122 = arith.constant 0.000000e+00 : f32
    %broadcast_in_dim3A_123 = vector.broadcast %broadcast_in_dim3A_122 : f32 to vector<16xf32>
    %swap3A_124 = arith.constant 176 : index
    %swap3A_125 = tpu.vector_load %arg9[%swap3A_124] {strides = array<i32>} : memref<512xf32, #tpu.memory_space<vmem>>, vector<16xf32>,
    %swap3A_126 = vector.shape_cast %swap3A_125 : vector<16xf32> to vector<16xf32>
    %swap3A_127 = vector.shape_cast %broadcast_in_dim3A_123 : vector<16xf32> to vector<16xf32>
    tpu.vector_store %arg9[%swap3A_124], %swap3A_127 {strides = array<i32>} : memref<512xf32, #tpu.memory_space<vmem>>, vector<16xf32>,
    %broadcast_in_dim3A_128 = arith.constant 0.000000e+00 : f32
    %broadcast_in_dim3A_129 = vector.broadcast %broadcast_in_dim3A_128 : f32 to vector<16xf32>
    %swap3A_130 = arith.constant 192 : index
    %swap3A_131 = tpu.vector_load %arg9[%swap3A_130] {strides = array<i32>} : memref<512xf32, #tpu.memory_space<vmem>>, vector<16xf32>,
    %swap3A_132 = vector.shape_cast %swap3A_131 : vector<16xf32> to vector<16xf32>
    %swap3A_133 = vector.shape_cast %broadcast_in_dim3A_129 : vector<16xf32> to vector<16xf32>
    tpu.vector_store %arg9[%swap3A_130], %swap3A_133 {strides = array<i32>} : memref<512xf32, #tpu.memory_space<vmem>>, vector<16xf32>,
    %broadcast_in_dim3A_134 = arith.constant 0.000000e+00 : f32
    %broadcast_in_dim3A_135 = vector.broadcast %broadcast_in_dim3A_134 : f32 to vector<16xf32>
    %swap3A_136 = arith.constant 208 : index
    %swap3A_137 = tpu.vector_load %arg9[%swap3A_136] {strides = array<i32>} : memref<512xf32, #tpu.memory_space<vmem>>, vector<16xf32>,
    %swap3A_138 = vector.shape_cast %swap3A_137 : vector<16xf32> to vector<16xf32>
    %swap3A_139 = vector.shape_cast %broadcast_in_dim3A_135 : vector<16xf32> to vector<16xf32>
    tpu.vector_store %arg9[%swap3A_136], %swap3A_139 {strides = array<i32>} : memref<512xf32, #tpu.memory_space<vmem>>, vector<16xf32>,
    %broadcast_in_dim3A_140 = arith.constant 0.000000e+00 : f32
    %broadcast_in_dim3A_141 = vector.broadcast %broadcast_in_dim3A_140 : f32 to vector<16xf32>
    %swap3A_142 = arith.constant 224 : index
    %swap3A_143 = tpu.vector_load %arg9[%swap3A_142] {strides = array<i32>} : memref<512xf32, #tpu.memory_space<vmem>>, vector<16xf32>,
    %swap3A_144 = vector.shape_cast %swap3A_143 : vector<16xf32> to vector<16xf32>
    %swap3A_145 = vector.shape_cast %broadcast_in_dim3A_141 : vector<16xf32> to vector<16xf32>
    tpu.vector_store %arg9[%swap3A_142], %swap3A_145 {strides = array<i32>} : memref<512xf32, #tpu.memory_space<vmem>>, vector<16xf32>,
    %broadcast_in_dim3A_146 = arith.constant 0.000000e+00 : f32
    %broadcast_in_dim3A_147 = vector.broadcast %broadcast_in_dim3A_146 : f32 to vector<16xf32>
    %swap3A_148 = arith.constant 240 : index
    %swap3A_149 = tpu.vector_load %arg9[%swap3A_148] {strides = array<i32>} : memref<512xf32, #tpu.memory_space<vmem>>, vector<16xf32>,
    %swap3A_150 = vector.shape_cast %swap3A_149 : vector<16xf32> to vector<16xf32>
    %swap3A_151 = vector.shape_cast %broadcast_in_dim3A_147 : vector<16xf32> to vector<16xf32>
    tpu.vector_store %arg9[%swap3A_148], %swap3A_151 {strides = array<i32>} : memref<512xf32, #tpu.memory_space<vmem>>, vector<16xf32>,
    %broadcast_in_dim3A_152 = arith.constant 0.000000e+00 : f32
    %broadcast_in_dim3A_153 = vector.broadcast %broadcast_in_dim3A_152 : f32 to vector<16xf32>
    %swap3A_154 = arith.constant 256 : index
    %swap3A_155 = tpu.vector_load %arg9[%swap3A_154] {strides = array<i32>} : memref<512xf32, #tpu.memory_space<vmem>>, vector<16xf32>,
    %swap3A_156 = vector.shape_cast %swap3A_155 : vector<16xf32> to vector<16xf32>
    %swap3A_157 = vector.shape_cast %broadcast_in_dim3A_153 : vector<16xf32> to vector<16xf32>
    tpu.vector_store %arg9[%swap3A_154], %swap3A_157 {strides = array<i32>} : memref<512xf32, #tpu.memory_space<vmem>>, vector<16xf32>,
    %broadcast_in_dim3A_158 = arith.constant 0.000000e+00 : f32
    %broadcast_in_dim3A_159 = vector.broadcast %broadcast_in_dim3A_158 : f32 to vector<16xf32>
    %swap3A_160 = arith.constant 272 : index
    %swap3A_161 = tpu.vector_load %arg9[%swap3A_160] {strides = array<i32>} : memref<512xf32, #tpu.memory_space<vmem>>, vector<16xf32>,
    %swap3A_162 = vector.shape_cast %swap3A_161 : vector<16xf32> to vector<16xf32>
    %swap3A_163 = vector.shape_cast %broadcast_in_dim3A_159 : vector<16xf32> to vector<16xf32>
    tpu.vector_store %arg9[%swap3A_160], %swap3A_163 {strides = array<i32>} : memref<512xf32, #tpu.memory_space<vmem>>, vector<16xf32>,
    %broadcast_in_dim3A_164 = arith.constant 0.000000e+00 : f32
    %broadcast_in_dim3A_165 = vector.broadcast %broadcast_in_dim3A_164 : f32 to vector<16xf32>
    %swap3A_166 = arith.constant 288 : index
    %swap3A_167 = tpu.vector_load %arg9[%swap3A_166] {strides = array<i32>} : memref<512xf32, #tpu.memory_space<vmem>>, vector<16xf32>,
    %swap3A_168 = vector.shape_cast %swap3A_167 : vector<16xf32> to vector<16xf32>
    %swap3A_169 = vector.shape_cast %broadcast_in_dim3A_165 : vector<16xf32> to vector<16xf32>
    tpu.vector_store %arg9[%swap3A_166], %swap3A_169 {strides = array<i32>} : memref<512xf32, #tpu.memory_space<vmem>>, vector<16xf32>,
    %broadcast_in_dim3A_170 = arith.constant 0.000000e+00 : f32
    %broadcast_in_dim3A_171 = vector.broadcast %broadcast_in_dim3A_170 : f32 to vector<16xf32>
    %swap3A_172 = arith.constant 304 : index
    %swap3A_173 = tpu.vector_load %arg9[%swap3A_172] {strides = array<i32>} : memref<512xf32, #tpu.memory_space<vmem>>, vector<16xf32>,
    %swap3A_174 = vector.shape_cast %swap3A_173 : vector<16xf32> to vector<16xf32>
    %swap3A_175 = vector.shape_cast %broadcast_in_dim3A_171 : vector<16xf32> to vector<16xf32>
    tpu.vector_store %arg9[%swap3A_172], %swap3A_175 {strides = array<i32>} : memref<512xf32, #tpu.memory_space<vmem>>, vector<16xf32>,
    %broadcast_in_dim3A_176 = arith.constant 0.000000e+00 : f32
    %broadcast_in_dim3A_177 = vector.broadcast %broadcast_in_dim3A_176 : f32 to vector<16xf32>
    %swap3A_178 = arith.constant 320 : index
    %swap3A_179 = tpu.vector_load %arg9[%swap3A_178] {strides = array<i32>} : memref<512xf32, #tpu.memory_space<vmem>>, vector<16xf32>,
    %swap3A_180 = vector.shape_cast %swap3A_179 : vector<16xf32> to vector<16xf32>
    %swap3A_181 = vector.shape_cast %broadcast_in_dim3A_177 : vector<16xf32> to vector<16xf32>
    tpu.vector_store %arg9[%swap3A_178], %swap3A_181 {strides = array<i32>} : memref<512xf32, #tpu.memory_space<vmem>>, vector<16xf32>,
    %broadcast_in_dim3A_182 = arith.constant 0.000000e+00 : f32
    %broadcast_in_dim3A_183 = vector.broadcast %broadcast_in_dim3A_182 : f32 to vector<16xf32>
    %swap3A_184 = arith.constant 336 : index
    %swap3A_185 = tpu.vector_load %arg9[%swap3A_184] {strides = array<i32>} : memref<512xf32, #tpu.memory_space<vmem>>, vector<16xf32>,
    %swap3A_186 = vector.shape_cast %swap3A_185 : vector<16xf32> to vector<16xf32>
    %swap3A_187 = vector.shape_cast %broadcast_in_dim3A_183 : vector<16xf32> to vector<16xf32>
    tpu.vector_store %arg9[%swap3A_184], %swap3A_187 {strides = array<i32>} : memref<512xf32, #tpu.memory_space<vmem>>, vector<16xf32>,
    %broadcast_in_dim3A_188 = arith.constant 0.000000e+00 : f32
    %broadcast_in_dim3A_189 = vector.broadcast %broadcast_in_dim3A_188 : f32 to vector<16xf32>
    %swap3A_190 = arith.constant 352 : index
    %swap3A_191 = tpu.vector_load %arg9[%swap3A_190] {strides = array<i32>} : memref<512xf32, #tpu.memory_space<vmem>>, vector<16xf32>,
    %swap3A_192 = vector.shape_cast %swap3A_191 : vector<16xf32> to vector<16xf32>
    %swap3A_193 = vector.shape_cast %broadcast_in_dim3A_189 : vector<16xf32> to vector<16xf32>
    tpu.vector_store %arg9[%swap3A_190], %swap3A_193 {strides = array<i32>} : memref<512xf32, #tpu.memory_space<vmem>>, vector<16xf32>,
    %broadcast_in_dim3A_194 = arith.constant 0.000000e+00 : f32
    %broadcast_in_dim3A_195 = vector.broadcast %broadcast_in_dim3A_194 : f32 to vector<16xf32>
    %swap3A_196 = arith.constant 368 : index
    %swap3A_197 = tpu.vector_load %arg9[%swap3A_196] {strides = array<i32>} : memref<512xf32, #tpu.memory_space<vmem>>, vector<16xf32>,
    %swap3A_198 = vector.shape_cast %swap3A_197 : vector<16xf32> to vector<16xf32>
    %swap3A_199 = vector.shape_cast %broadcast_in_dim3A_195 : vector<16xf32> to vector<16xf32>
    tpu.vector_store %arg9[%swap3A_196], %swap3A_199 {strides = array<i32>} : memref<512xf32, #tpu.memory_space<vmem>>, vector<16xf32>,
    %broadcast_in_dim3A_200 = arith.constant 0.000000e+00 : f32
    %broadcast_in_dim3A_201 = vector.broadcast %broadcast_in_dim3A_200 : f32 to vector<16xf32>
    %swap3A_202 = arith.constant 384 : index
    %swap3A_203 = tpu.vector_load %arg9[%swap3A_202] {strides = array<i32>} : memref<512xf32, #tpu.memory_space<vmem>>, vector<16xf32>,
    %swap3A_204 = vector.shape_cast %swap3A_203 : vector<16xf32> to vector<16xf32>
    %swap3A_205 = vector.shape_cast %broadcast_in_dim3A_201 : vector<16xf32> to vector<16xf32>
    tpu.vector_store %arg9[%swap3A_202], %swap3A_205 {strides = array<i32>} : memref<512xf32, #tpu.memory_space<vmem>>, vector<16xf32>,
    %broadcast_in_dim3A_206 = arith.constant 0.000000e+00 : f32
    %broadcast_in_dim3A_207 = vector.broadcast %broadcast_in_dim3A_206 : f32 to vector<16xf32>
    %swap3A_208 = arith.constant 400 : index
    %swap3A_209 = tpu.vector_load %arg9[%swap3A_208] {strides = array<i32>} : memref<512xf32, #tpu.memory_space<vmem>>, vector<16xf32>,
    %swap3A_210 = vector.shape_cast %swap3A_209 : vector<16xf32> to vector<16xf32>
    %swap3A_211 = vector.shape_cast %broadcast_in_dim3A_207 : vector<16xf32> to vector<16xf32>
    tpu.vector_store %arg9[%swap3A_208], %swap3A_211 {strides = array<i32>} : memref<512xf32, #tpu.memory_space<vmem>>, vector<16xf32>,
    %broadcast_in_dim3A_212 = arith.constant 0.000000e+00 : f32
    %broadcast_in_dim3A_213 = vector.broadcast %broadcast_in_dim3A_212 : f32 to vector<16xf32>
    %swap3A_214 = arith.constant 416 : index
    %swap3A_215 = tpu.vector_load %arg9[%swap3A_214] {strides = array<i32>} : memref<512xf32, #tpu.memory_space<vmem>>, vector<16xf32>,
    %swap3A_216 = vector.shape_cast %swap3A_215 : vector<16xf32> to vector<16xf32>
    %swap3A_217 = vector.shape_cast %broadcast_in_dim3A_213 : vector<16xf32> to vector<16xf32>
    tpu.vector_store %arg9[%swap3A_214], %swap3A_217 {strides = array<i32>} : memref<512xf32, #tpu.memory_space<vmem>>, vector<16xf32>,
    %broadcast_in_dim3A_218 = arith.constant 0.000000e+00 : f32
    %broadcast_in_dim3A_219 = vector.broadcast %broadcast_in_dim3A_218 : f32 to vector<16xf32>
    %swap3A_220 = arith.constant 432 : index
    %swap3A_221 = tpu.vector_load %arg9[%swap3A_220] {strides = array<i32>} : memref<512xf32, #tpu.memory_space<vmem>>, vector<16xf32>,
    %swap3A_222 = vector.shape_cast %swap3A_221 : vector<16xf32> to vector<16xf32>
    %swap3A_223 = vector.shape_cast %broadcast_in_dim3A_219 : vector<16xf32> to vector<16xf32>
    tpu.vector_store %arg9[%swap3A_220], %swap3A_223 {strides = array<i32>} : memref<512xf32, #tpu.memory_space<vmem>>, vector<16xf32>,
    %broadcast_in_dim3A_224 = arith.constant 0.000000e+00 : f32
    %broadcast_in_dim3A_225 = vector.broadcast %broadcast_in_dim3A_224 : f32 to vector<16xf32>
    %swap3A_226 = arith.constant 448 : index
    %swap3A_227 = tpu.vector_load %arg9[%swap3A_226] {strides = array<i32>} : memref<512xf32, #tpu.memory_space<vmem>>, vector<16xf32>,
    %swap3A_228 = vector.shape_cast %swap3A_227 : vector<16xf32> to vector<16xf32>
    %swap3A_229 = vector.shape_cast %broadcast_in_dim3A_225 : vector<16xf32> to vector<16xf32>
    tpu.vector_store %arg9[%swap3A_226], %swap3A_229 {strides = array<i32>} : memref<512xf32, #tpu.memory_space<vmem>>, vector<16xf32>,
    %broadcast_in_dim3A_230 = arith.constant 0.000000e+00 : f32
    %broadcast_in_dim3A_231 = vector.broadcast %broadcast_in_dim3A_230 : f32 to vector<16xf32>
    %swap3A_232 = arith.constant 464 : index
    %swap3A_233 = tpu.vector_load %arg9[%swap3A_232] {strides = array<i32>} : memref<512xf32, #tpu.memory_space<vmem>>, vector<16xf32>,
    %swap3A_234 = vector.shape_cast %swap3A_233 : vector<16xf32> to vector<16xf32>
    %swap3A_235 = vector.shape_cast %broadcast_in_dim3A_231 : vector<16xf32> to vector<16xf32>
    tpu.vector_store %arg9[%swap3A_232], %swap3A_235 {strides = array<i32>} : memref<512xf32, #tpu.memory_space<vmem>>, vector<16xf32>,
    %broadcast_in_dim3A_236 = arith.constant 0.000000e+00 : f32
    %broadcast_in_dim3A_237 = vector.broadcast %broadcast_in_dim3A_236 : f32 to vector<16xf32>
    %swap3A_238 = arith.constant 480 : index
    %swap3A_239 = tpu.vector_load %arg9[%swap3A_238] {strides = array<i32>} : memref<512xf32, #tpu.memory_space<vmem>>, vector<16xf32>,
    %swap3A_240 = vector.shape_cast %swap3A_239 : vector<16xf32> to vector<16xf32>
    %swap3A_241 = vector.shape_cast %broadcast_in_dim3A_237 : vector<16xf32> to vector<16xf32>
    tpu.vector_store %arg9[%swap3A_238], %swap3A_241 {strides = array<i32>} : memref<512xf32, #tpu.memory_space<vmem>>, vector<16xf32>,
    %broadcast_in_dim3A_242 = arith.constant 0.000000e+00 : f32
    %broadcast_in_dim3A_243 = vector.broadcast %broadcast_in_dim3A_242 : f32 to vector<16xf32>
    %swap3A_244 = arith.constant 496 : index
    %swap3A_245 = tpu.vector_load %arg9[%swap3A_244] {strides = array<i32>} : memref<512xf32, #tpu.memory_space<vmem>>, vector<16xf32>,
    %swap3A_246 = vector.shape_cast %swap3A_245 : vector<16xf32> to vector<16xf32>
    %swap3A_247 = vector.shape_cast %broadcast_in_dim3A_243 : vector<16xf32> to vector<16xf32>
    tpu.vector_store %arg9[%swap3A_244], %swap3A_247 {strides = array<i32>} : memref<512xf32, #tpu.memory_space<vmem>>, vector<16xf32>,
    %mul3A_248 = arith.constant 512 : i32
    %mul3A_249 = arith.muli %arg1, %mul3A_248 : i32
    "tpu.region"() ({
      %run_scoped3A_387 = tpu.sem_alloc : memref<!tpu.dma_semaphore, #tpu.memory_space<semaphore_mem>>
      %dma_start3A_388 = tpu.memref_slice %arg10[%mul3A_249] : memref<8192xf32, #tpu.memory_space<vmem_shared>> -> memref<512xf32, #tpu.memory_space<vmem_shared>>
      %dma_start3A_389 = tpu.memref_slice %arg10[%mul3A_249] : memref<8192xf32, #tpu.memory_space<vmem_shared>> -> memref<512xf32, #tpu.memory_space<vmem_shared>>
      tpu.enqueue_dma source(%arg9 : memref<512xf32, #tpu.memory_space<vmem>>) target(%dma_start3A_389 : memref<512xf32, #tpu.memory_space<vmem_shared>>) target_semaphore(%run_scoped3A_387 : memref<!tpu.dma_semaphore, #tpu.memory_space<semaphore_mem>>)
      %dma_wait3A_390 = tpu.memref_slice %arg10[%mul3A_249] : memref<8192xf32, #tpu.memory_space<vmem_shared>> -> memref<512xf32, #tpu.memory_space<vmem_shared>>
      %dma_wait3A_391 = tpu.memref_slice %arg10[%mul3A_249] : memref<8192xf32, #tpu.memory_space<vmem_shared>> -> memref<512xf32, #tpu.memory_space<vmem_shared>>
      tpu.wait_dma2 semaphore(%run_scoped3A_387 : memref<!tpu.dma_semaphore, #tpu.memory_space<semaphore_mem>>) src(%arg9 : memref<512xf32, #tpu.memory_space<vmem>>) dst(%dma_wait3A_391 : memref<512xf32, #tpu.memory_space<vmem_shared>>)
      tpu.yield
    }) : () -> ()
    %broadcast_in_dim3A_250 = arith.constant 1.000000e+00 : f32
    %broadcast_in_dim3A_251 = vector.broadcast %broadcast_in_dim3A_250 : f32 to vector<16xf32>
    %swap3A_252 = arith.constant 0 : i32
    %swap3A_253 = arith.index_cast %swap3A_252 : i32 to index
    %swap3A_254 = arith.constant 0 : index
    %swap3A_255 = tpu.vector_load %arg8[%swap3A_253, %swap3A_254] {strides = array<i32>} : memref<2x128xf32, #tpu.memory_space<vmem>>, vector<1x16xf32>,
    %swap3A_256 = vector.shape_cast %swap3A_255 : vector<1x16xf32> to vector<16xf32>
    %swap3A_257 = vector.shape_cast %broadcast_in_dim3A_251 : vector<16xf32> to vector<1x16xf32>
    tpu.vector_store %arg8[%swap3A_253, %swap3A_254], %swap3A_257 {strides = array<i32>} : memref<2x128xf32, #tpu.memory_space<vmem>>, vector<1x16xf32>,
    %broadcast_in_dim3A_258 = arith.constant 1.000000e+00 : f32
    %broadcast_in_dim3A_259 = vector.broadcast %broadcast_in_dim3A_258 : f32 to vector<16xf32>
    %swap3A_260 = arith.constant 0 : i32
    %swap3A_261 = arith.index_cast %swap3A_260 : i32 to index
    %swap3A_262 = arith.constant 16 : index
    %swap3A_263 = tpu.vector_load %arg8[%swap3A_261, %swap3A_262] {strides = array<i32>} : memref<2x128xf32, #tpu.memory_space<vmem>>, vector<1x16xf32>,
    %swap3A_264 = vector.shape_cast %swap3A_263 : vector<1x16xf32> to vector<16xf32>
    %swap3A_265 = vector.shape_cast %broadcast_in_dim3A_259 : vector<16xf32> to vector<1x16xf32>
    tpu.vector_store %arg8[%swap3A_261, %swap3A_262], %swap3A_265 {strides = array<i32>} : memref<2x128xf32, #tpu.memory_space<vmem>>, vector<1x16xf32>,
    %broadcast_in_dim3A_266 = arith.constant 1.000000e+00 : f32
    %broadcast_in_dim3A_267 = vector.broadcast %broadcast_in_dim3A_266 : f32 to vector<16xf32>
    %swap3A_268 = arith.constant 0 : i32
    %swap3A_269 = arith.index_cast %swap3A_268 : i32 to index
    %swap3A_270 = arith.constant 32 : index
    %swap3A_271 = tpu.vector_load %arg8[%swap3A_269, %swap3A_270] {strides = array<i32>} : memref<2x128xf32, #tpu.memory_space<vmem>>, vector<1x16xf32>,
    %swap3A_272 = vector.shape_cast %swap3A_271 : vector<1x16xf32> to vector<16xf32>
    %swap3A_273 = vector.shape_cast %broadcast_in_dim3A_267 : vector<16xf32> to vector<1x16xf32>
    tpu.vector_store %arg8[%swap3A_269, %swap3A_270], %swap3A_273 {strides = array<i32>} : memref<2x128xf32, #tpu.memory_space<vmem>>, vector<1x16xf32>,
    %broadcast_in_dim3A_274 = arith.constant 1.000000e+00 : f32
    %broadcast_in_dim3A_275 = vector.broadcast %broadcast_in_dim3A_274 : f32 to vector<16xf32>
    %swap3A_276 = arith.constant 0 : i32
    %swap3A_277 = arith.index_cast %swap3A_276 : i32 to index
    %swap3A_278 = arith.constant 48 : index
    %swap3A_279 = tpu.vector_load %arg8[%swap3A_277, %swap3A_278] {strides = array<i32>} : memref<2x128xf32, #tpu.memory_space<vmem>>, vector<1x16xf32>,
    %swap3A_280 = vector.shape_cast %swap3A_279 : vector<1x16xf32> to vector<16xf32>
    %swap3A_281 = vector.shape_cast %broadcast_in_dim3A_275 : vector<16xf32> to vector<1x16xf32>
    tpu.vector_store %arg8[%swap3A_277, %swap3A_278], %swap3A_281 {strides = array<i32>} : memref<2x128xf32, #tpu.memory_space<vmem>>, vector<1x16xf32>,
    %broadcast_in_dim3A_282 = arith.constant 1.000000e+00 : f32
    %broadcast_in_dim3A_283 = vector.broadcast %broadcast_in_dim3A_282 : f32 to vector<16xf32>
    %swap3A_284 = arith.constant 0 : i32
    %swap3A_285 = arith.index_cast %swap3A_284 : i32 to index
    %swap3A_286 = arith.constant 64 : index
    %swap3A_287 = tpu.vector_load %arg8[%swap3A_285, %swap3A_286] {strides = array<i32>} : memref<2x128xf32, #tpu.memory_space<vmem>>, vector<1x16xf32>,
    %swap3A_288 = vector.shape_cast %swap3A_287 : vector<1x16xf32> to vector<16xf32>
    %swap3A_289 = vector.shape_cast %broadcast_in_dim3A_283 : vector<16xf32> to vector<1x16xf32>
    tpu.vector_store %arg8[%swap3A_285, %swap3A_286], %swap3A_289 {strides = array<i32>} : memref<2x128xf32, #tpu.memory_space<vmem>>, vector<1x16xf32>,
    %broadcast_in_dim3A_290 = arith.constant 1.000000e+00 : f32
    %broadcast_in_dim3A_291 = vector.broadcast %broadcast_in_dim3A_290 : f32 to vector<16xf32>
    %swap3A_292 = arith.constant 0 : i32
    %swap3A_293 = arith.index_cast %swap3A_292 : i32 to index
    %swap3A_294 = arith.constant 80 : index
    %swap3A_295 = tpu.vector_load %arg8[%swap3A_293, %swap3A_294] {strides = array<i32>} : memref<2x128xf32, #tpu.memory_space<vmem>>, vector<1x16xf32>,
    %swap3A_296 = vector.shape_cast %swap3A_295 : vector<1x16xf32> to vector<16xf32>
    %swap3A_297 = vector.shape_cast %broadcast_in_dim3A_291 : vector<16xf32> to vector<1x16xf32>
    tpu.vector_store %arg8[%swap3A_293, %swap3A_294], %swap3A_297 {strides = array<i32>} : memref<2x128xf32, #tpu.memory_space<vmem>>, vector<1x16xf32>,
    %broadcast_in_dim3A_298 = arith.constant 1.000000e+00 : f32
    %broadcast_in_dim3A_299 = vector.broadcast %broadcast_in_dim3A_298 : f32 to vector<16xf32>
    %swap3A_300 = arith.constant 0 : i32
    %swap3A_301 = arith.index_cast %swap3A_300 : i32 to index
    %swap3A_302 = arith.constant 96 : index
    %swap3A_303 = tpu.vector_load %arg8[%swap3A_301, %swap3A_302] {strides = array<i32>} : memref<2x128xf32, #tpu.memory_space<vmem>>, vector<1x16xf32>,
    %swap3A_304 = vector.shape_cast %swap3A_303 : vector<1x16xf32> to vector<16xf32>
    %swap3A_305 = vector.shape_cast %broadcast_in_dim3A_299 : vector<16xf32> to vector<1x16xf32>
    tpu.vector_store %arg8[%swap3A_301, %swap3A_302], %swap3A_305 {strides = array<i32>} : memref<2x128xf32, #tpu.memory_space<vmem>>, vector<1x16xf32>,
    %broadcast_in_dim3A_306 = arith.constant 1.000000e+00 : f32
    %broadcast_in_dim3A_307 = vector.broadcast %broadcast_in_dim3A_306 : f32 to vector<16xf32>
    %swap3A_308 = arith.constant 0 : i32
    %swap3A_309 = arith.index_cast %swap3A_308 : i32 to index
    %swap3A_310 = arith.constant 112 : index
    %swap3A_311 = tpu.vector_load %arg8[%swap3A_309, %swap3A_310] {strides = array<i32>} : memref<2x128xf32, #tpu.memory_space<vmem>>, vector<1x16xf32>,
    %swap3A_312 = vector.shape_cast %swap3A_311 : vector<1x16xf32> to vector<16xf32>
    %swap3A_313 = vector.shape_cast %broadcast_in_dim3A_307 : vector<16xf32> to vector<1x16xf32>
    tpu.vector_store %arg8[%swap3A_309, %swap3A_310], %swap3A_313 {strides = array<i32>} : memref<2x128xf32, #tpu.memory_space<vmem>>, vector<1x16xf32>,
    %broadcast_in_dim3A_314 = arith.constant 1.000000e+00 : f32
    %broadcast_in_dim3A_315 = vector.broadcast %broadcast_in_dim3A_314 : f32 to vector<16xf32>
    %swap3A_316 = arith.constant 1 : i32
    %swap3A_317 = arith.index_cast %swap3A_316 : i32 to index
    %swap3A_318 = arith.constant 0 : index
    %swap3A_319 = tpu.vector_load %arg8[%swap3A_317, %swap3A_318] {strides = array<i32>} : memref<2x128xf32, #tpu.memory_space<vmem>>, vector<1x16xf32>,
    %swap3A_320 = vector.shape_cast %swap3A_319 : vector<1x16xf32> to vector<16xf32>
    %swap3A_321 = vector.shape_cast %broadcast_in_dim3A_315 : vector<16xf32> to vector<1x16xf32>
    tpu.vector_store %arg8[%swap3A_317, %swap3A_318], %swap3A_321 {strides = array<i32>} : memref<2x128xf32, #tpu.memory_space<vmem>>, vector<1x16xf32>,
    %broadcast_in_dim3A_322 = arith.constant 1.000000e+00 : f32
    %broadcast_in_dim3A_323 = vector.broadcast %broadcast_in_dim3A_322 : f32 to vector<16xf32>
    %swap3A_324 = arith.constant 1 : i32
    %swap3A_325 = arith.index_cast %swap3A_324 : i32 to index
    %swap3A_326 = arith.constant 16 : index
    %swap3A_327 = tpu.vector_load %arg8[%swap3A_325, %swap3A_326] {strides = array<i32>} : memref<2x128xf32, #tpu.memory_space<vmem>>, vector<1x16xf32>,
    %swap3A_328 = vector.shape_cast %swap3A_327 : vector<1x16xf32> to vector<16xf32>
    %swap3A_329 = vector.shape_cast %broadcast_in_dim3A_323 : vector<16xf32> to vector<1x16xf32>
    tpu.vector_store %arg8[%swap3A_325, %swap3A_326], %swap3A_329 {strides = array<i32>} : memref<2x128xf32, #tpu.memory_space<vmem>>, vector<1x16xf32>,
    %broadcast_in_dim3A_330 = arith.constant 1.000000e+00 : f32
    %broadcast_in_dim3A_331 = vector.broadcast %broadcast_in_dim3A_330 : f32 to vector<16xf32>
    %swap3A_332 = arith.constant 1 : i32
    %swap3A_333 = arith.index_cast %swap3A_332 : i32 to index
    %swap3A_334 = arith.constant 32 : index
    %swap3A_335 = tpu.vector_load %arg8[%swap3A_333, %swap3A_334] {strides = array<i32>} : memref<2x128xf32, #tpu.memory_space<vmem>>, vector<1x16xf32>,
    %swap3A_336 = vector.shape_cast %swap3A_335 : vector<1x16xf32> to vector<16xf32>
    %swap3A_337 = vector.shape_cast %broadcast_in_dim3A_331 : vector<16xf32> to vector<1x16xf32>
    tpu.vector_store %arg8[%swap3A_333, %swap3A_334], %swap3A_337 {strides = array<i32>} : memref<2x128xf32, #tpu.memory_space<vmem>>, vector<1x16xf32>,
    %broadcast_in_dim3A_338 = arith.constant 1.000000e+00 : f32
    %broadcast_in_dim3A_339 = vector.broadcast %broadcast_in_dim3A_338 : f32 to vector<16xf32>
    %swap3A_340 = arith.constant 1 : i32
    %swap3A_341 = arith.index_cast %swap3A_340 : i32 to index
    %swap3A_342 = arith.constant 48 : index
    %swap3A_343 = tpu.vector_load %arg8[%swap3A_341, %swap3A_342] {strides = array<i32>} : memref<2x128xf32, #tpu.memory_space<vmem>>, vector<1x16xf32>,
    %swap3A_344 = vector.shape_cast %swap3A_343 : vector<1x16xf32> to vector<16xf32>
    %swap3A_345 = vector.shape_cast %broadcast_in_dim3A_339 : vector<16xf32> to vector<1x16xf32>
    tpu.vector_store %arg8[%swap3A_341, %swap3A_342], %swap3A_345 {strides = array<i32>} : memref<2x128xf32, #tpu.memory_space<vmem>>, vector<1x16xf32>,
    %broadcast_in_dim3A_346 = arith.constant 1.000000e+00 : f32
    %broadcast_in_dim3A_347 = vector.broadcast %broadcast_in_dim3A_346 : f32 to vector<16xf32>
    %swap3A_348 = arith.constant 1 : i32
    %swap3A_349 = arith.index_cast %swap3A_348 : i32 to index
    %swap3A_350 = arith.constant 64 : index
    %swap3A_351 = tpu.vector_load %arg8[%swap3A_349, %swap3A_350] {strides = array<i32>} : memref<2x128xf32, #tpu.memory_space<vmem>>, vector<1x16xf32>,
    %swap3A_352 = vector.shape_cast %swap3A_351 : vector<1x16xf32> to vector<16xf32>
    %swap3A_353 = vector.shape_cast %broadcast_in_dim3A_347 : vector<16xf32> to vector<1x16xf32>
    tpu.vector_store %arg8[%swap3A_349, %swap3A_350], %swap3A_353 {strides = array<i32>} : memref<2x128xf32, #tpu.memory_space<vmem>>, vector<1x16xf32>,
    %broadcast_in_dim3A_354 = arith.constant 1.000000e+00 : f32
    %broadcast_in_dim3A_355 = vector.broadcast %broadcast_in_dim3A_354 : f32 to vector<16xf32>
    %swap3A_356 = arith.constant 1 : i32
    %swap3A_357 = arith.index_cast %swap3A_356 : i32 to index
    %swap3A_358 = arith.constant 80 : index
    %swap3A_359 = tpu.vector_load %arg8[%swap3A_357, %swap3A_358] {strides = array<i32>} : memref<2x128xf32, #tpu.memory_space<vmem>>, vector<1x16xf32>,
    %swap3A_360 = vector.shape_cast %swap3A_359 : vector<1x16xf32> to vector<16xf32>
    %swap3A_361 = vector.shape_cast %broadcast_in_dim3A_355 : vector<16xf32> to vector<1x16xf32>
    tpu.vector_store %arg8[%swap3A_357, %swap3A_358], %swap3A_361 {strides = array<i32>} : memref<2x128xf32, #tpu.memory_space<vmem>>, vector<1x16xf32>,
    %broadcast_in_dim3A_362 = arith.constant 1.000000e+00 : f32
    %broadcast_in_dim3A_363 = vector.broadcast %broadcast_in_dim3A_362 : f32 to vector<16xf32>
    %swap3A_364 = arith.constant 1 : i32
    %swap3A_365 = arith.index_cast %swap3A_364 : i32 to index
    %swap3A_366 = arith.constant 96 : index
    %swap3A_367 = tpu.vector_load %arg8[%swap3A_365, %swap3A_366] {strides = array<i32>} : memref<2x128xf32, #tpu.memory_space<vmem>>, vector<1x16xf32>,
    %swap3A_368 = vector.shape_cast %swap3A_367 : vector<1x16xf32> to vector<16xf32>
    %swap3A_369 = vector.shape_cast %broadcast_in_dim3A_363 : vector<16xf32> to vector<1x16xf32>
    tpu.vector_store %arg8[%swap3A_365, %swap3A_366], %swap3A_369 {strides = array<i32>} : memref<2x128xf32, #tpu.memory_space<vmem>>, vector<1x16xf32>,
    %broadcast_in_dim3A_370 = arith.constant 1.000000e+00 : f32
    %broadcast_in_dim3A_371 = vector.broadcast %broadcast_in_dim3A_370 : f32 to vector<16xf32>
    %swap3A_372 = arith.constant 1 : i32
    %swap3A_373 = arith.index_cast %swap3A_372 : i32 to index
    %swap3A_374 = arith.constant 112 : index
    %swap3A_375 = tpu.vector_load %arg8[%swap3A_373, %swap3A_374] {strides = array<i32>} : memref<2x128xf32, #tpu.memory_space<vmem>>, vector<1x16xf32>,
    %swap3A_376 = vector.shape_cast %swap3A_375 : vector<1x16xf32> to vector<16xf32>
    %swap3A_377 = vector.shape_cast %broadcast_in_dim3A_371 : vector<16xf32> to vector<1x16xf32>
    tpu.vector_store %arg8[%swap3A_373, %swap3A_374], %swap3A_377 {strides = array<i32>} : memref<2x128xf32, #tpu.memory_space<vmem>>, vector<1x16xf32>,
    %barrier3A = arith.constant 0 : index
    tpu.barrier barrier_id(%barrier3A)
    %run_scoped3A_378 = arith.constant 0 : i32
    %run_scoped3A_379 = arith.constant 0 : i32
    "tpu.region"() ({
      %run_scoped3A_387 = tpu.sem_alloc : memref<!tpu.dma_semaphore, #tpu.memory_space<semaphore_mem>>
      %dma_start3A_388 = arith.constant 0 : i32
      %dma_start3A_389 = tpu.memref_slice %arg8[%run_scoped3A_378, %dma_start3A_388] : memref<2x128xf32, #tpu.memory_space<vmem>> -> memref<1x128xf32, #tpu.memory_space<vmem>>
      %dma_start3A_390 = tpu.memref_squeeze %dma_start3A_389 : memref<1x128xf32, #tpu.memory_space<vmem>> -> memref<128xf32, #tpu.memory_space<vmem>>
      %dma_start3A_391 = arith.constant 0 : i32
      %dma_start3A_392 = tpu.memref_slice %arg6[%run_scoped3A_379, %dma_start3A_391] : memref<2x128xi32, #tpu.memory_space<vmem>> -> memref<1x128xi32, #tpu.memory_space<vmem>>
      %dma_start3A_393 = tpu.memref_squeeze %dma_start3A_392 : memref<1x128xi32, #tpu.memory_space<vmem>> -> memref<128xi32, #tpu.memory_space<vmem>>
      %dma_start3A_394 = arith.constant 0 : i32
      %dma_start3A_395 = tpu.memref_slice %arg10[%dma_start3A_394] : memref<8192xf32, #tpu.memory_space<vmem_shared>> -> memref<8192xf32, #tpu.memory_space<vmem_shared>>
      tpu.enqueue_indirect_dma source(%dma_start3A_390 : memref<128xf32, #tpu.memory_space<vmem>>) target(%dma_start3A_395 : memref<8192xf32, #tpu.memory_space<vmem_shared>>) offsets(%dma_start3A_393 : memref<128xi32, #tpu.memory_space<vmem>>) semaphore(%run_scoped3A_387 : memref<!tpu.dma_semaphore, #tpu.memory_space<semaphore_mem>>) {add = true}
      %dma_wait3A_396 = arith.constant 0 : i32
      %dma_wait3A_397 = tpu.memref_slice %arg8[%run_scoped3A_378, %dma_wait3A_396] : memref<2x128xf32, #tpu.memory_space<vmem>> -> memref<1x128xf32, #tpu.memory_space<vmem>>
      %dma_wait3A_398 = tpu.memref_squeeze %dma_wait3A_397 : memref<1x128xf32, #tpu.memory_space<vmem>> -> memref<128xf32, #tpu.memory_space<vmem>>
      %dma_wait3A_399 = arith.constant 0 : i32
      %dma_wait3A_400 = tpu.memref_slice %arg6[%run_scoped3A_379, %dma_wait3A_399] : memref<2x128xi32, #tpu.memory_space<vmem>> -> memref<1x128xi32, #tpu.memory_space<vmem>>
      %dma_wait3A_401 = tpu.memref_squeeze %dma_wait3A_400 : memref<1x128xi32, #tpu.memory_space<vmem>> -> memref<128xi32, #tpu.memory_space<vmem>>
      %dma_wait3A_402 = arith.constant 0 : i32
      %dma_wait3A_403 = tpu.memref_slice %arg10[%dma_wait3A_402] : memref<8192xf32, #tpu.memory_space<vmem_shared>> -> memref<8192xf32, #tpu.memory_space<vmem_shared>>
      tpu.wait_indirect_dma semaphore(%run_scoped3A_387 : memref<!tpu.dma_semaphore, #tpu.memory_space<semaphore_mem>>) src(%dma_wait3A_398 : memref<128xf32, #tpu.memory_space<vmem>>) dst(%dma_wait3A_403 : memref<8192xf32, #tpu.memory_space<vmem_shared>>)
      tpu.yield
    }) : () -> ()
    %run_scoped3A_380 = arith.constant 1 : i32
    %run_scoped3A_381 = arith.constant 1 : i32
    "tpu.region"() ({
      %run_scoped3A_387 = tpu.sem_alloc : memref<!tpu.dma_semaphore, #tpu.memory_space<semaphore_mem>>
      %dma_start3A_388 = arith.constant 0 : i32
      %dma_start3A_389 = tpu.memref_slice %arg8[%run_scoped3A_380, %dma_start3A_388] : memref<2x128xf32, #tpu.memory_space<vmem>> -> memref<1x128xf32, #tpu.memory_space<vmem>>
      %dma_start3A_390 = tpu.memref_squeeze %dma_start3A_389 : memref<1x128xf32, #tpu.memory_space<vmem>> -> memref<128xf32, #tpu.memory_space<vmem>>
      %dma_start3A_391 = arith.constant 0 : i32
      %dma_start3A_392 = tpu.memref_slice %arg6[%run_scoped3A_381, %dma_start3A_391] : memref<2x128xi32, #tpu.memory_space<vmem>> -> memref<1x128xi32, #tpu.memory_space<vmem>>
      %dma_start3A_393 = tpu.memref_squeeze %dma_start3A_392 : memref<1x128xi32, #tpu.memory_space<vmem>> -> memref<128xi32, #tpu.memory_space<vmem>>
      %dma_start3A_394 = arith.constant 0 : i32
      %dma_start3A_395 = tpu.memref_slice %arg10[%dma_start3A_394] : memref<8192xf32, #tpu.memory_space<vmem_shared>> -> memref<8192xf32, #tpu.memory_space<vmem_shared>>
      tpu.enqueue_indirect_dma source(%dma_start3A_390 : memref<128xf32, #tpu.memory_space<vmem>>) target(%dma_start3A_395 : memref<8192xf32, #tpu.memory_space<vmem_shared>>) offsets(%dma_start3A_393 : memref<128xi32, #tpu.memory_space<vmem>>) semaphore(%run_scoped3A_387 : memref<!tpu.dma_semaphore, #tpu.memory_space<semaphore_mem>>) {add = true}
      %dma_wait3A_396 = arith.constant 0 : i32
      %dma_wait3A_397 = tpu.memref_slice %arg8[%run_scoped3A_380, %dma_wait3A_396] : memref<2x128xf32, #tpu.memory_space<vmem>> -> memref<1x128xf32, #tpu.memory_space<vmem>>
      %dma_wait3A_398 = tpu.memref_squeeze %dma_wait3A_397 : memref<1x128xf32, #tpu.memory_space<vmem>> -> memref<128xf32, #tpu.memory_space<vmem>>
      %dma_wait3A_399 = arith.constant 0 : i32
      %dma_wait3A_400 = tpu.memref_slice %arg6[%run_scoped3A_381, %dma_wait3A_399] : memref<2x128xi32, #tpu.memory_space<vmem>> -> memref<1x128xi32, #tpu.memory_space<vmem>>
      %dma_wait3A_401 = tpu.memref_squeeze %dma_wait3A_400 : memref<1x128xi32, #tpu.memory_space<vmem>> -> memref<128xi32, #tpu.memory_space<vmem>>
      %dma_wait3A_402 = arith.constant 0 : i32
      %dma_wait3A_403 = tpu.memref_slice %arg10[%dma_wait3A_402] : memref<8192xf32, #tpu.memory_space<vmem_shared>> -> memref<8192xf32, #tpu.memory_space<vmem_shared>>
      tpu.wait_indirect_dma semaphore(%run_scoped3A_387 : memref<!tpu.dma_semaphore, #tpu.memory_space<semaphore_mem>>) src(%dma_wait3A_398 : memref<128xf32, #tpu.memory_space<vmem>>) dst(%dma_wait3A_403 : memref<8192xf32, #tpu.memory_space<vmem_shared>>)
      tpu.yield
    }) : () -> ()
    %barrier3A_382 = arith.constant 0 : index
    tpu.barrier barrier_id(%barrier3A_382)
    %mul3A_383 = arith.constant 512 : i32
    %mul3A_384 = arith.muli %arg1, %mul3A_383 : i32
    %mul3A_385 = arith.constant 512 : i32
    %mul3A_386 = arith.muli %arg1, %mul3A_385 : i32
    "tpu.region"() ({
      %run_scoped3A_387 = tpu.sem_alloc : memref<!tpu.dma_semaphore, #tpu.memory_space<semaphore_mem>>
      %dma_start3A_388 = tpu.memref_slice %arg5[%arg0, %mul3A_386] : memref<2x8192xf32, #tpu.memory_space<hbm>> -> memref<1x512xf32, #tpu.memory_space<hbm>>
      %dma_start3A_389 = tpu.memref_squeeze %dma_start3A_388 : memref<1x512xf32, #tpu.memory_space<hbm>> -> memref<512xf32, #tpu.memory_space<hbm>>
      %dma_start3A_390 = tpu.memref_slice %arg10[%mul3A_384] : memref<8192xf32, #tpu.memory_space<vmem_shared>> -> memref<512xf32, #tpu.memory_space<vmem_shared>>
      tpu.enqueue_dma source(%dma_start3A_390 : memref<512xf32, #tpu.memory_space<vmem_shared>>) target(%dma_start3A_389 : memref<512xf32, #tpu.memory_space<hbm>>) target_semaphore(%run_scoped3A_387 : memref<!tpu.dma_semaphore, #tpu.memory_space<semaphore_mem>>)
      %dma_wait3A_391 = tpu.memref_slice %arg5[%arg0, %mul3A_386] : memref<2x8192xf32, #tpu.memory_space<hbm>> -> memref<1x512xf32, #tpu.memory_space<hbm>>
      %dma_wait3A_392 = tpu.memref_squeeze %dma_wait3A_391 : memref<1x512xf32, #tpu.memory_space<hbm>> -> memref<512xf32, #tpu.memory_space<hbm>>
      %dma_wait3A_393 = tpu.memref_slice %arg10[%mul3A_384] : memref<8192xf32, #tpu.memory_space<vmem_shared>> -> memref<512xf32, #tpu.memory_space<vmem_shared>>
      tpu.wait_dma2 semaphore(%run_scoped3A_387 : memref<!tpu.dma_semaphore, #tpu.memory_space<semaphore_mem>>) src(%dma_wait3A_393 : memref<512xf32, #tpu.memory_space<vmem_shared>>) dst(%dma_wait3A_392 : memref<512xf32, #tpu.memory_space<hbm>>)
      tpu.yield
    }) : () -> ()
    return
  }
}

module attributes {stable_mosaic.version = 14 : i64} {
  func.func @_finalize_body(%arg0: i32, %arg1: memref<1x512x256xf32, #tpu.memory_space<vmem>>, %arg2: memref<1x256x512xf32, #tpu.memory_space<vmem>>, %arg3: memref<2x8192xf32, #tpu.memory_space<vmem>>, %arg4: memref<1x256x512xf32, #tpu.memory_space<vmem>>, %arg5: memref<1x1xf32, #tpu.memory_space<vmem>>, %arg6: memref<1x1xf32, #tpu.memory_space<vmem>>, %arg7: memref<1x1xf32, #tpu.memory_space<vmem>>) attributes {dimension_semantics = [#tpu.dimension_semantics<arbitrary>], iteration_bounds = array<i64: 16>, scalar_prefetch = 0 : i64, scratch_operands = 1 : i64, tpu.core_type = #tpu.core_type<tc>, window_params = [{transform_indices = @transform_0, window_bounds = array<i64: 1, 512, 256>}, {transform_indices = @transform_1, window_bounds = array<i64: 1, 256, 512>}, {pipeline_mode = #tpu.pipeline_mode<synchronous>, transform_indices = @transform_2, window_bounds = array<i64: 2, 8192>}, {transform_indices = @transform_3, window_bounds = array<i64: 1, 256, 512>}, {pipeline_mode = #tpu.pipeline_mode<synchronous>, transform_indices = @transform_4, window_bounds = array<i64: 1, 1>}, {pipeline_mode = #tpu.pipeline_mode<synchronous>, transform_indices = @transform_5, window_bounds = array<i64: 1, 1>}]} {
    %get3A = arith.constant 0 : index
    %get3A_0 = arith.constant 0 : index
    %get3A_1 = arith.constant 0 : index
    %get3A_2 = vector.load %arg1[%get3A, %get3A_0, %get3A_1] : memref<1x512x256xf32, #tpu.memory_space<vmem>>, vector<1x512x256xf32>
    %get3A_3 = vector.shape_cast %get3A_2 : vector<1x512x256xf32> to vector<512x256xf32>
    %transpose3A = tpu.transpose %get3A_3, [1, 0] : vector<512x256xf32> -> vector<256x512xf32>
    %swap3A = arith.constant 0 : index
    %swap3A_4 = arith.constant 0 : index
    %swap3A_5 = arith.constant 0 : index
    %swap3A_6 = vector.load %arg4[%swap3A, %swap3A_4, %swap3A_5] : memref<1x256x512xf32, #tpu.memory_space<vmem>>, vector<1x256x512xf32>
    %swap3A_7 = vector.shape_cast %swap3A_6 : vector<1x256x512xf32> to vector<256x512xf32>
    %swap3A_8 = vector.shape_cast %transpose3A : vector<256x512xf32> to vector<1x256x512xf32>
    tpu.vector_store %arg4[%swap3A, %swap3A_4, %swap3A_5], %swap3A_8 {strides = array<i32>} : memref<1x256x512xf32, #tpu.memory_space<vmem>>, vector<1x256x512xf32>,
    %get3A_9 = arith.constant 0 : index
    %get3A_10 = arith.constant 0 : index
    %get3A_11 = arith.constant 0 : index
    %get3A_12 = vector.load %arg2[%get3A_9, %get3A_10, %get3A_11] : memref<1x256x512xf32, #tpu.memory_space<vmem>>, vector<1x256x512xf32>
    %get3A_13 = vector.shape_cast %get3A_12 : vector<1x256x512xf32> to vector<256x512xf32>
    %sub3A = arith.subf %get3A_13, %transpose3A : vector<256x512xf32>
    %integer_pow3A = arith.mulf %sub3A, %sub3A : vector<256x512xf32>
    %reduce_sum3A = vector.shape_cast %integer_pow3A : vector<256x512xf32> to vector<1x256x512xf32>
    %reduce_sum3A_14 = arith.constant dense<0.000000e+00> : vector<1xf32>
    %reduce_sum3A_15 = vector.multi_reduction <add>, %reduce_sum3A, %reduce_sum3A_14 [1, 2] : vector<1x256x512xf32> to vector<1xf32>
    %reduce_sum3A_16 = vector.shape_cast %reduce_sum3A_15 : vector<1xf32> to vector<1x1x1xf32>
    %reduce_sum3A_17 = vector.extract %reduce_sum3A_16[0, 0, 0] : f32 from vector<1x1x1xf32>
    %reshape3A = vector.broadcast %reduce_sum3A_17 : f32 to vector<1x1xf32>
    %eq3A = arith.constant 0 : i32
    %eq3A_18 = arith.cmpi eq, %arg0, %eq3A : i32
    %convert_element_type3A = arith.extui %eq3A_18 : i1 to i32
    %cond3A = arith.constant 0 : i32
    %cond3A_19 = arith.cmpi ne, %convert_element_type3A, %cond3A : i32
    scf.if %cond3A_19 {
      %swap3A_29 = arith.constant 0 : index
      %swap3A_30 = arith.constant 0 : index
      %swap3A_31 = vector.load %arg7[%swap3A_29, %swap3A_30] : memref<1x1xf32, #tpu.memory_space<vmem>>, vector<1x1xf32>
      tpu.vector_store %arg7[%swap3A_29, %swap3A_30], %reshape3A {strides = array<i32>} : memref<1x1xf32, #tpu.memory_space<vmem>>, vector<1x1xf32>,
      %get3A_32 = arith.constant 0 : index
      %get3A_33 = arith.constant 0 : index
      %get3A_34 = vector.load %arg3[%get3A_32, %get3A_33] : memref<2x8192xf32, #tpu.memory_space<vmem>>, vector<1x8192xf32>
      %get3A_35 = vector.shape_cast %get3A_34 : vector<1x8192xf32> to vector<8192xf32>
      %get3A_36 = arith.constant 1 : index
      %get3A_37 = arith.constant 0 : index
      %get3A_38 = vector.load %arg3[%get3A_36, %get3A_37] : memref<2x8192xf32, #tpu.memory_space<vmem>>, vector<1x8192xf32>
      %get3A_39 = vector.shape_cast %get3A_38 : vector<1x8192xf32> to vector<8192xf32>
      %add3A = arith.addf %get3A_35, %get3A_39 : vector<8192xf32>
      %reduce_sum3A_40 = vector.shape_cast %add3A : vector<8192xf32> to vector<1x8192xf32>
      %reduce_sum3A_41 = arith.constant dense<0.000000e+00> : vector<1xf32>
      %reduce_sum3A_42 = vector.multi_reduction <add>, %reduce_sum3A_40, %reduce_sum3A_41 [1] : vector<1x8192xf32> to vector<1xf32>
      %reduce_sum3A_43 = vector.shape_cast %reduce_sum3A_42 : vector<1xf32> to vector<1x1xf32>
      %reduce_sum3A_44 = vector.extract %reduce_sum3A_43[0, 0] : f32 from vector<1x1xf32>
      %div3A = vector.broadcast %reduce_sum3A_44 : f32 to vector<8192xf32>
      %div3A_45 = arith.divf %add3A, %div3A : vector<8192xf32>
      %add3A_46 = arith.constant 1.000000e-07 : f32
      %add3A_47 = vector.broadcast %add3A_46 : f32 to vector<8192xf32>
      %add3A_48 = arith.addf %div3A_45, %add3A_47 : vector<8192xf32>
      %log3A = math.log %add3A_48 : vector<8192xf32>
      %mul3A = arith.mulf %div3A_45, %log3A : vector<8192xf32>
      %reduce_sum3A_49 = vector.shape_cast %mul3A : vector<8192xf32> to vector<1x8192xf32>
      %reduce_sum3A_50 = arith.constant dense<0.000000e+00> : vector<1xf32>
      %reduce_sum3A_51 = vector.multi_reduction <add>, %reduce_sum3A_49, %reduce_sum3A_50 [1] : vector<1x8192xf32> to vector<1xf32>
      %reduce_sum3A_52 = vector.shape_cast %reduce_sum3A_51 : vector<1xf32> to vector<1x1xf32>
      %reduce_sum3A_53 = vector.extract %reduce_sum3A_52[0, 0] : f32 from vector<1x1xf32>
      %neg3A = arith.constant 0.000000e+00 : f32
      %neg3A_54 = arith.subf %neg3A, %reduce_sum3A_53 : f32
      %exp3A = math.exp %neg3A_54 : f32
      %reshape3A_55 = vector.broadcast %exp3A : f32 to vector<1x1xf32>
      %swap3A_56 = arith.constant 0 : index
      %swap3A_57 = arith.constant 0 : index
      %swap3A_58 = vector.load %arg6[%swap3A_56, %swap3A_57] : memref<1x1xf32, #tpu.memory_space<vmem>>, vector<1x1xf32>
      tpu.vector_store %arg6[%swap3A_56, %swap3A_57], %reshape3A_55 {strides = array<i32>} : memref<1x1xf32, #tpu.memory_space<vmem>>, vector<1x1xf32>,
    } else {
    }
    %gt3A = arith.constant 0 : i32
    %gt3A_20 = arith.cmpi sgt, %arg0, %gt3A : i32
    %convert_element_type3A_21 = arith.extui %gt3A_20 : i1 to i32
    %cond3A_22 = arith.constant 0 : i32
    %cond3A_23 = arith.cmpi ne, %convert_element_type3A_21, %cond3A_22 : i32
    scf.if %cond3A_23 {
      %get3A_29 = arith.constant 0 : index
      %get3A_30 = arith.constant 0 : index
      %get3A_31 = vector.load %arg7[%get3A_29, %get3A_30] : memref<1x1xf32, #tpu.memory_space<vmem>>, vector<1x1xf32>
      %add3A = arith.addf %get3A_31, %reshape3A : vector<1x1xf32>
      %swap3A_32 = arith.constant 0 : index
      %swap3A_33 = arith.constant 0 : index
      %swap3A_34 = vector.load %arg7[%swap3A_32, %swap3A_33] : memref<1x1xf32, #tpu.memory_space<vmem>>, vector<1x1xf32>
      tpu.vector_store %arg7[%swap3A_32, %swap3A_33], %add3A {strides = array<i32>} : memref<1x1xf32, #tpu.memory_space<vmem>>, vector<1x1xf32>,
    } else {
    }
    %eq3A_24 = arith.constant 15 : i32
    %eq3A_25 = arith.cmpi eq, %arg0, %eq3A_24 : i32
    %convert_element_type3A_26 = arith.extui %eq3A_25 : i1 to i32
    %cond3A_27 = arith.constant 0 : i32
    %cond3A_28 = arith.cmpi ne, %convert_element_type3A_26, %cond3A_27 : i32
    scf.if %cond3A_28 {
      %get3A_29 = arith.constant 0 : index
      %get3A_30 = arith.constant 0 : index
      %get3A_31 = vector.load %arg7[%get3A_29, %get3A_30] : memref<1x1xf32, #tpu.memory_space<vmem>>, vector<1x1xf32>
      %div3A = arith.constant 0x4A000000 : f32
      %div3A_32 = vector.broadcast %div3A : f32 to vector<1x1xf32>
      %div3A_33 = arith.divf %get3A_31, %div3A_32 : vector<1x1xf32>
      %swap3A_34 = arith.constant 0 : index
      %swap3A_35 = arith.constant 0 : index
      %swap3A_36 = vector.load %arg5[%swap3A_34, %swap3A_35] : memref<1x1xf32, #tpu.memory_space<vmem>>, vector<1x1xf32>
      tpu.vector_store %arg5[%swap3A_34, %swap3A_35], %div3A_33 {strides = array<i32>} : memref<1x1xf32, #tpu.memory_space<vmem>>, vector<1x1xf32>,
    } else {
    }
    return
  }
  func.func @transform_0(%arg0: i32) -> (i32, i32, i32) {
    %c0_i32 = arith.constant 0 : i32
    %c0_i32_0 = arith.constant 0 : i32
    %c0_i32_1 = arith.constant 0 : i32
    return %arg0, %c0_i32, %c0_i32_0 : i32, i32, i32
  }
  func.func @transform_1(%arg0: i32) -> (i32, i32, i32) {
    %c0_i32 = arith.constant 0 : i32
    %c0_i32_0 = arith.constant 0 : i32
    %c0_i32_1 = arith.constant 0 : i32
    return %arg0, %c0_i32, %c0_i32_0 : i32, i32, i32
  }
  func.func @transform_2(%arg0: i32) -> (i32, i32) {
    %c0_i32 = arith.constant 0 : i32
    %c0_i32_0 = arith.constant 0 : i32
    %c0_i32_1 = arith.constant 0 : i32
    return %c0_i32, %c0_i32_0 : i32, i32
  }
  func.func @transform_3(%arg0: i32) -> (i32, i32, i32) {
    %c0_i32 = arith.constant 0 : i32
    %c0_i32_0 = arith.constant 0 : i32
    %c0_i32_1 = arith.constant 0 : i32
    return %arg0, %c0_i32, %c0_i32_0 : i32, i32, i32
  }
  func.func @transform_4(%arg0: i32) -> (i32, i32) {
    %c0_i32 = arith.constant 0 : i32
    %c0_i32_0 = arith.constant 0 : i32
    %c0_i32_1 = arith.constant 0 : i32
    return %c0_i32, %c0_i32_0 : i32, i32
  }
  func.func @transform_5(%arg0: i32) -> (i32, i32) {
    %c0_i32 = arith.constant 0 : i32
    %c0_i32_0 = arith.constant 0 : i32
    %c0_i32_1 = arith.constant 0 : i32
    return %c0_i32, %c0_i32_0 : i32, i32
  }
}

module attributes {stable_mosaic.version = 14 : i64} {
  func.func @_dist_argmin_body(%arg0: i32, %arg1: i32, %arg2: memref<1x256x512xf32, #tpu.memory_space<vmem>>, %arg3: memref<1024x256xf32, #tpu.memory_space<vmem>>, %arg4: memref<1x1x512xi32, #tpu.memory_space<vmem>>, %arg5: memref<2x512xf32, #tpu.memory_space<vmem>>, %arg6: memref<2x512xi32, #tpu.memory_space<vmem>>) attributes {dimension_semantics = [#tpu.dimension_semantics<arbitrary>, #tpu.dimension_semantics<arbitrary>], iteration_bounds = array<i64: 16, 8>, scalar_prefetch = 0 : i64, scratch_operands = 2 : i64, tpu.core_type = #tpu.core_type<tc>, window_params = [{transform_indices = @transform_0, window_bounds = array<i64: 1, 256, 512>}, {transform_indices = @transform_1, window_bounds = array<i64: 1024, 256>}, {transform_indices = @transform_2, window_bounds = array<i64: 1, 1, 512>}]} {
    %get3A = arith.constant 0 : index
    %get3A_0 = arith.constant 0 : index
    %get3A_1 = arith.constant 0 : index
    %get3A_2 = vector.load %arg2[%get3A, %get3A_0, %get3A_1] : memref<1x256x512xf32, #tpu.memory_space<vmem>>, vector<1x256x512xf32>
    %get3A_3 = vector.shape_cast %get3A_2 : vector<1x256x512xf32> to vector<256x512xf32>
    %get3A_4 = arith.constant 0 : index
    %get3A_5 = arith.constant 0 : index
    %get3A_6 = vector.load %arg3[%get3A_4, %get3A_5] : memref<1024x256xf32, #tpu.memory_space<vmem>>, vector<1024x256xf32>
    %convert_element_type3A = arith.truncf %get3A_6 : vector<1024x256xf32> to vector<1024x256xbf16>
    %convert_element_type3A_7 = arith.truncf %get3A_3 : vector<256x512xf32> to vector<256x512xbf16>
    %dot_general3A = arith.constant dense<0.000000e+00> : vector<1024x512xf32>
    %dot_general3A_8 = tpu.matmul %convert_element_type3A, %convert_element_type3A_7, %dot_general3A {dimension_numbers = #tpu.dot_dimension_numbers<[1], [0], [0], [1], [0, 0, 1, 1], [], []>, transpose_lhs_hint = false} : vector<1024x256xbf16>, vector<256x512xbf16>, vector<1024x512xf32> -> vector<1024x512xf32>
    %mul3A = arith.mulf %get3A_3, %get3A_3 : vector<256x512xf32>
    %reduce_sum3A = arith.constant dense<0.000000e+00> : vector<512xf32>
    %reduce_sum3A_9 = vector.multi_reduction <add>, %mul3A, %reduce_sum3A [0] : vector<256x512xf32> to vector<512xf32>
    %broadcast_in_dim3A = vector.shape_cast %reduce_sum3A_9 : vector<512xf32> to vector<1x512xf32>
    %mul3A_10 = arith.mulf %get3A_6, %get3A_6 : vector<1024x256xf32>
    %reduce_sum3A_11 = arith.constant dense<0.000000e+00> : vector<1024xf32>
    %reduce_sum3A_12 = vector.multi_reduction <add>, %mul3A_10, %reduce_sum3A_11 [1] : vector<1024x256xf32> to vector<1024xf32>
    %broadcast_in_dim3A_13 = vector.shape_cast %reduce_sum3A_12 : vector<1024xf32> to vector<1024x1xf32>
    %mul3A_14 = arith.constant 2.000000e+00 : f32
    %mul3A_15 = vector.broadcast %mul3A_14 : f32 to vector<1024x512xf32>
    %mul3A_16 = arith.mulf %mul3A_15, %dot_general3A_8 : vector<1024x512xf32>
    %sub3A = vector.broadcast %broadcast_in_dim3A : vector<1x512xf32> to vector<1024x512xf32>
    %sub3A_17 = arith.subf %sub3A, %mul3A_16 : vector<1024x512xf32>
    %add3A = vector.broadcast %broadcast_in_dim3A_13 : vector<1024x1xf32> to vector<1024x512xf32>
    %add3A_18 = arith.addf %sub3A_17, %add3A : vector<1024x512xf32>
    %iota3A = tpu.iota {dimensions = array<i32: 0>} : vector<1024x512xi32>
    %mul3A_19 = arith.constant 1024 : i32
    %mul3A_20 = arith.muli %arg1, %mul3A_19 : i32
    %add3A_21 = vector.broadcast %mul3A_20 : i32 to vector<1024x512xi32>
    %add3A_22 = arith.addi %iota3A, %add3A_21 : vector<1024x512xi32>
    %eq3A = arith.constant 0 : i32
    %eq3A_23 = arith.cmpi eq, %arg1, %eq3A : i32
    %convert_element_type3A_24 = arith.extui %eq3A_23 : i1 to i32
    %cond3A = arith.constant 0 : i32
    %cond3A_25 = arith.cmpi ne, %convert_element_type3A_24, %cond3A : i32
    scf.if %cond3A_25 {
      %broadcast_in_dim3A_71 = arith.constant 3.000000e+38 : f32
      %broadcast_in_dim3A_72 = vector.broadcast %broadcast_in_dim3A_71 : f32 to vector<2x512xf32>
      %swap3A = arith.constant 0 : index
      %swap3A_73 = arith.constant 0 : index
      %swap3A_74 = vector.load %arg5[%swap3A, %swap3A_73] : memref<2x512xf32, #tpu.memory_space<vmem>>, vector<2x512xf32>
      tpu.vector_store %arg5[%swap3A, %swap3A_73], %broadcast_in_dim3A_72 {strides = array<i32>} : memref<2x512xf32, #tpu.memory_space<vmem>>, vector<2x512xf32>,
      %broadcast_in_dim3A_75 = arith.constant 0 : i32
      %broadcast_in_dim3A_76 = vector.broadcast %broadcast_in_dim3A_75 : i32 to vector<2x512xi32>
      %swap3A_77 = arith.constant 0 : index
      %swap3A_78 = arith.constant 0 : index
      %swap3A_79 = vector.load %arg6[%swap3A_77, %swap3A_78] : memref<2x512xi32, #tpu.memory_space<vmem>>, vector<2x512xi32>
      tpu.vector_store %arg6[%swap3A_77, %swap3A_78], %broadcast_in_dim3A_76 {strides = array<i32>} : memref<2x512xi32, #tpu.memory_space<vmem>>, vector<2x512xi32>,
    } else {
    }
    %eq3A_26 = arith.constant 0 : i32
    %eq3A_27 = arith.cmpi eq, %arg1, %eq3A_26 : i32
    %convert_element_type3A_28 = arith.extui %eq3A_27 : i1 to i32
    %cond3A_29 = arith.constant 0 : i32
    %cond3A_30 = arith.cmpi ne, %convert_element_type3A_28, %cond3A_29 : i32
    scf.if %cond3A_30 {
      %reduce_min3A = arith.constant dense<0x7F800000> : vector<512xf32>
      %reduce_min3A_71 = vector.multi_reduction <minimumf>, %add3A_18, %reduce_min3A [0] : vector<1024x512xf32> to vector<512xf32>
      %broadcast_in_dim3A_72 = vector.shape_cast %reduce_min3A_71 : vector<512xf32> to vector<1x512xf32>
      %eq3A_73 = vector.broadcast %broadcast_in_dim3A_72 : vector<1x512xf32> to vector<1024x512xf32>
      %eq3A_74 = arith.cmpf oeq, %add3A_18, %eq3A_73 : vector<1024x512xf32>
      %jit3A = arith.constant 8192 : i32
      %broadcast_in_dim3A_75 = vector.broadcast %jit3A : i32 to vector<1024x512xi32>
      %select_n3A = arith.select %eq3A_74, %add3A_22, %broadcast_in_dim3A_75 : vector<1024x512xi1>, vector<1024x512xi32>
      %reduce_min3A_76 = arith.constant dense<2147483647> : vector<512xi32>
      %reduce_min3A_77 = vector.multi_reduction <minsi>, %select_n3A, %reduce_min3A_76 [0] : vector<1024x512xi32> to vector<512xi32>
      %broadcast_in_dim3A_78 = vector.shape_cast %reduce_min3A_77 : vector<512xi32> to vector<1x512xi32>
      %get3A_79 = arith.constant 0 : index
      %get3A_80 = arith.constant 0 : index
      %get3A_81 = vector.load %arg5[%get3A_79, %get3A_80] : memref<2x512xf32, #tpu.memory_space<vmem>>, vector<1x512xf32>
      %lt3A = arith.cmpf olt, %broadcast_in_dim3A_72, %get3A_81 : vector<1x512xf32>
      %get3A_82 = arith.constant 0 : index
      %get3A_83 = arith.constant 0 : index
      %get3A_84 = vector.load %arg5[%get3A_82, %get3A_83] : memref<2x512xf32, #tpu.memory_space<vmem>>, vector<1x512xf32>
      %select_n3A_85 = arith.select %lt3A, %broadcast_in_dim3A_72, %get3A_84 : vector<1x512xi1>, vector<1x512xf32>
      %swap3A = arith.constant 0 : index
      %swap3A_86 = arith.constant 0 : index
      %swap3A_87 = vector.load %arg5[%swap3A, %swap3A_86] : memref<2x512xf32, #tpu.memory_space<vmem>>, vector<1x512xf32>
      tpu.vector_store %arg5[%swap3A, %swap3A_86], %select_n3A_85 {strides = array<i32>} : memref<2x512xf32, #tpu.memory_space<vmem>>, vector<1x512xf32>,
      %get3A_88 = arith.constant 0 : index
      %get3A_89 = arith.constant 0 : index
      %get3A_90 = vector.load %arg6[%get3A_88, %get3A_89] : memref<2x512xi32, #tpu.memory_space<vmem>>, vector<1x512xi32>
      %select_n3A_91 = arith.select %lt3A, %broadcast_in_dim3A_78, %get3A_90 : vector<1x512xi1>, vector<1x512xi32>
      %swap3A_92 = arith.constant 0 : index
      %swap3A_93 = arith.constant 0 : index
      %swap3A_94 = vector.load %arg6[%swap3A_92, %swap3A_93] : memref<2x512xi32, #tpu.memory_space<vmem>>, vector<1x512xi32>
      tpu.vector_store %arg6[%swap3A_92, %swap3A_93], %select_n3A_91 {strides = array<i32>} : memref<2x512xi32, #tpu.memory_space<vmem>>, vector<1x512xi32>,
    } else {
    }
    %eq3A_31 = arith.constant 1 : i32
    %eq3A_32 = arith.cmpi eq, %arg1, %eq3A_31 : i32
    %convert_element_type3A_33 = arith.extui %eq3A_32 : i1 to i32
    %cond3A_34 = arith.constant 0 : i32
    %cond3A_35 = arith.cmpi ne, %convert_element_type3A_33, %cond3A_34 : i32
    scf.if %cond3A_35 {
      %reduce_min3A = arith.constant dense<0x7F800000> : vector<512xf32>
      %reduce_min3A_71 = vector.multi_reduction <minimumf>, %add3A_18, %reduce_min3A [0] : vector<1024x512xf32> to vector<512xf32>
      %broadcast_in_dim3A_72 = vector.shape_cast %reduce_min3A_71 : vector<512xf32> to vector<1x512xf32>
      %eq3A_73 = vector.broadcast %broadcast_in_dim3A_72 : vector<1x512xf32> to vector<1024x512xf32>
      %eq3A_74 = arith.cmpf oeq, %add3A_18, %eq3A_73 : vector<1024x512xf32>
      %jit3A = arith.constant 8192 : i32
      %broadcast_in_dim3A_75 = vector.broadcast %jit3A : i32 to vector<1024x512xi32>
      %select_n3A = arith.select %eq3A_74, %add3A_22, %broadcast_in_dim3A_75 : vector<1024x512xi1>, vector<1024x512xi32>
      %reduce_min3A_76 = arith.constant dense<2147483647> : vector<512xi32>
      %reduce_min3A_77 = vector.multi_reduction <minsi>, %select_n3A, %reduce_min3A_76 [0] : vector<1024x512xi32> to vector<512xi32>
      %broadcast_in_dim3A_78 = vector.shape_cast %reduce_min3A_77 : vector<512xi32> to vector<1x512xi32>
      %get3A_79 = arith.constant 0 : index
      %get3A_80 = arith.constant 0 : index
      %get3A_81 = vector.load %arg5[%get3A_79, %get3A_80] : memref<2x512xf32, #tpu.memory_space<vmem>>, vector<1x512xf32>
      %lt3A = arith.cmpf olt, %broadcast_in_dim3A_72, %get3A_81 : vector<1x512xf32>
      %get3A_82 = arith.constant 0 : index
      %get3A_83 = arith.constant 0 : index
      %get3A_84 = vector.load %arg5[%get3A_82, %get3A_83] : memref<2x512xf32, #tpu.memory_space<vmem>>, vector<1x512xf32>
      %select_n3A_85 = arith.select %lt3A, %broadcast_in_dim3A_72, %get3A_84 : vector<1x512xi1>, vector<1x512xf32>
      %swap3A = arith.constant 0 : index
      %swap3A_86 = arith.constant 0 : index
      %swap3A_87 = vector.load %arg5[%swap3A, %swap3A_86] : memref<2x512xf32, #tpu.memory_space<vmem>>, vector<1x512xf32>
      tpu.vector_store %arg5[%swap3A, %swap3A_86], %select_n3A_85 {strides = array<i32>} : memref<2x512xf32, #tpu.memory_space<vmem>>, vector<1x512xf32>,
      %get3A_88 = arith.constant 0 : index
      %get3A_89 = arith.constant 0 : index
      %get3A_90 = vector.load %arg6[%get3A_88, %get3A_89] : memref<2x512xi32, #tpu.memory_space<vmem>>, vector<1x512xi32>
      %select_n3A_91 = arith.select %lt3A, %broadcast_in_dim3A_78, %get3A_90 : vector<1x512xi1>, vector<1x512xi32>
      %swap3A_92 = arith.constant 0 : index
      %swap3A_93 = arith.constant 0 : index
      %swap3A_94 = vector.load %arg6[%swap3A_92, %swap3A_93] : memref<2x512xi32, #tpu.memory_space<vmem>>, vector<1x512xi32>
      tpu.vector_store %arg6[%swap3A_92, %swap3A_93], %select_n3A_91 {strides = array<i32>} : memref<2x512xi32, #tpu.memory_space<vmem>>, vector<1x512xi32>,
    } else {
    }
    %eq3A_36 = arith.constant 2 : i32
    %eq3A_37 = arith.cmpi eq, %arg1, %eq3A_36 : i32
    %convert_element_type3A_38 = arith.extui %eq3A_37 : i1 to i32
    %cond3A_39 = arith.constant 0 : i32
    %cond3A_40 = arith.cmpi ne, %convert_element_type3A_38, %cond3A_39 : i32
    scf.if %cond3A_40 {
      %reduce_min3A = arith.constant dense<0x7F800000> : vector<512xf32>
      %reduce_min3A_71 = vector.multi_reduction <minimumf>, %add3A_18, %reduce_min3A [0] : vector<1024x512xf32> to vector<512xf32>
      %broadcast_in_dim3A_72 = vector.shape_cast %reduce_min3A_71 : vector<512xf32> to vector<1x512xf32>
      %eq3A_73 = vector.broadcast %broadcast_in_dim3A_72 : vector<1x512xf32> to vector<1024x512xf32>
      %eq3A_74 = arith.cmpf oeq, %add3A_18, %eq3A_73 : vector<1024x512xf32>
      %jit3A = arith.constant 8192 : i32
      %broadcast_in_dim3A_75 = vector.broadcast %jit3A : i32 to vector<1024x512xi32>
      %select_n3A = arith.select %eq3A_74, %add3A_22, %broadcast_in_dim3A_75 : vector<1024x512xi1>, vector<1024x512xi32>
      %reduce_min3A_76 = arith.constant dense<2147483647> : vector<512xi32>
      %reduce_min3A_77 = vector.multi_reduction <minsi>, %select_n3A, %reduce_min3A_76 [0] : vector<1024x512xi32> to vector<512xi32>
      %broadcast_in_dim3A_78 = vector.shape_cast %reduce_min3A_77 : vector<512xi32> to vector<1x512xi32>
      %get3A_79 = arith.constant 0 : index
      %get3A_80 = arith.constant 0 : index
      %get3A_81 = vector.load %arg5[%get3A_79, %get3A_80] : memref<2x512xf32, #tpu.memory_space<vmem>>, vector<1x512xf32>
      %lt3A = arith.cmpf olt, %broadcast_in_dim3A_72, %get3A_81 : vector<1x512xf32>
      %get3A_82 = arith.constant 0 : index
      %get3A_83 = arith.constant 0 : index
      %get3A_84 = vector.load %arg5[%get3A_82, %get3A_83] : memref<2x512xf32, #tpu.memory_space<vmem>>, vector<1x512xf32>
      %select_n3A_85 = arith.select %lt3A, %broadcast_in_dim3A_72, %get3A_84 : vector<1x512xi1>, vector<1x512xf32>
      %swap3A = arith.constant 0 : index
      %swap3A_86 = arith.constant 0 : index
      %swap3A_87 = vector.load %arg5[%swap3A, %swap3A_86] : memref<2x512xf32, #tpu.memory_space<vmem>>, vector<1x512xf32>
      tpu.vector_store %arg5[%swap3A, %swap3A_86], %select_n3A_85 {strides = array<i32>} : memref<2x512xf32, #tpu.memory_space<vmem>>, vector<1x512xf32>,
      %get3A_88 = arith.constant 0 : index
      %get3A_89 = arith.constant 0 : index
      %get3A_90 = vector.load %arg6[%get3A_88, %get3A_89] : memref<2x512xi32, #tpu.memory_space<vmem>>, vector<1x512xi32>
      %select_n3A_91 = arith.select %lt3A, %broadcast_in_dim3A_78, %get3A_90 : vector<1x512xi1>, vector<1x512xi32>
      %swap3A_92 = arith.constant 0 : index
      %swap3A_93 = arith.constant 0 : index
      %swap3A_94 = vector.load %arg6[%swap3A_92, %swap3A_93] : memref<2x512xi32, #tpu.memory_space<vmem>>, vector<1x512xi32>
      tpu.vector_store %arg6[%swap3A_92, %swap3A_93], %select_n3A_91 {strides = array<i32>} : memref<2x512xi32, #tpu.memory_space<vmem>>, vector<1x512xi32>,
    } else {
    }
    %eq3A_41 = arith.constant 3 : i32
    %eq3A_42 = arith.cmpi eq, %arg1, %eq3A_41 : i32
    %convert_element_type3A_43 = arith.extui %eq3A_42 : i1 to i32
    %cond3A_44 = arith.constant 0 : i32
    %cond3A_45 = arith.cmpi ne, %convert_element_type3A_43, %cond3A_44 : i32
    scf.if %cond3A_45 {
      %reduce_min3A = arith.constant dense<0x7F800000> : vector<512xf32>
      %reduce_min3A_71 = vector.multi_reduction <minimumf>, %add3A_18, %reduce_min3A [0] : vector<1024x512xf32> to vector<512xf32>
      %broadcast_in_dim3A_72 = vector.shape_cast %reduce_min3A_71 : vector<512xf32> to vector<1x512xf32>
      %eq3A_73 = vector.broadcast %broadcast_in_dim3A_72 : vector<1x512xf32> to vector<1024x512xf32>
      %eq3A_74 = arith.cmpf oeq, %add3A_18, %eq3A_73 : vector<1024x512xf32>
      %jit3A = arith.constant 8192 : i32
      %broadcast_in_dim3A_75 = vector.broadcast %jit3A : i32 to vector<1024x512xi32>
      %select_n3A = arith.select %eq3A_74, %add3A_22, %broadcast_in_dim3A_75 : vector<1024x512xi1>, vector<1024x512xi32>
      %reduce_min3A_76 = arith.constant dense<2147483647> : vector<512xi32>
      %reduce_min3A_77 = vector.multi_reduction <minsi>, %select_n3A, %reduce_min3A_76 [0] : vector<1024x512xi32> to vector<512xi32>
      %broadcast_in_dim3A_78 = vector.shape_cast %reduce_min3A_77 : vector<512xi32> to vector<1x512xi32>
      %get3A_79 = arith.constant 0 : index
      %get3A_80 = arith.constant 0 : index
      %get3A_81 = vector.load %arg5[%get3A_79, %get3A_80] : memref<2x512xf32, #tpu.memory_space<vmem>>, vector<1x512xf32>
      %lt3A = arith.cmpf olt, %broadcast_in_dim3A_72, %get3A_81 : vector<1x512xf32>
      %get3A_82 = arith.constant 0 : index
      %get3A_83 = arith.constant 0 : index
      %get3A_84 = vector.load %arg5[%get3A_82, %get3A_83] : memref<2x512xf32, #tpu.memory_space<vmem>>, vector<1x512xf32>
      %select_n3A_85 = arith.select %lt3A, %broadcast_in_dim3A_72, %get3A_84 : vector<1x512xi1>, vector<1x512xf32>
      %swap3A = arith.constant 0 : index
      %swap3A_86 = arith.constant 0 : index
      %swap3A_87 = vector.load %arg5[%swap3A, %swap3A_86] : memref<2x512xf32, #tpu.memory_space<vmem>>, vector<1x512xf32>
      tpu.vector_store %arg5[%swap3A, %swap3A_86], %select_n3A_85 {strides = array<i32>} : memref<2x512xf32, #tpu.memory_space<vmem>>, vector<1x512xf32>,
      %get3A_88 = arith.constant 0 : index
      %get3A_89 = arith.constant 0 : index
      %get3A_90 = vector.load %arg6[%get3A_88, %get3A_89] : memref<2x512xi32, #tpu.memory_space<vmem>>, vector<1x512xi32>
      %select_n3A_91 = arith.select %lt3A, %broadcast_in_dim3A_78, %get3A_90 : vector<1x512xi1>, vector<1x512xi32>
      %swap3A_92 = arith.constant 0 : index
      %swap3A_93 = arith.constant 0 : index
      %swap3A_94 = vector.load %arg6[%swap3A_92, %swap3A_93] : memref<2x512xi32, #tpu.memory_space<vmem>>, vector<1x512xi32>
      tpu.vector_store %arg6[%swap3A_92, %swap3A_93], %select_n3A_91 {strides = array<i32>} : memref<2x512xi32, #tpu.memory_space<vmem>>, vector<1x512xi32>,
    } else {
    }
    %eq3A_46 = arith.constant 4 : i32
    %eq3A_47 = arith.cmpi eq, %arg1, %eq3A_46 : i32
    %convert_element_type3A_48 = arith.extui %eq3A_47 : i1 to i32
    %cond3A_49 = arith.constant 0 : i32
    %cond3A_50 = arith.cmpi ne, %convert_element_type3A_48, %cond3A_49 : i32
    scf.if %cond3A_50 {
      %reduce_min3A = arith.constant dense<0x7F800000> : vector<512xf32>
      %reduce_min3A_71 = vector.multi_reduction <minimumf>, %add3A_18, %reduce_min3A [0] : vector<1024x512xf32> to vector<512xf32>
      %broadcast_in_dim3A_72 = vector.shape_cast %reduce_min3A_71 : vector<512xf32> to vector<1x512xf32>
      %eq3A_73 = vector.broadcast %broadcast_in_dim3A_72 : vector<1x512xf32> to vector<1024x512xf32>
      %eq3A_74 = arith.cmpf oeq, %add3A_18, %eq3A_73 : vector<1024x512xf32>
      %jit3A = arith.constant 8192 : i32
      %broadcast_in_dim3A_75 = vector.broadcast %jit3A : i32 to vector<1024x512xi32>
      %select_n3A = arith.select %eq3A_74, %add3A_22, %broadcast_in_dim3A_75 : vector<1024x512xi1>, vector<1024x512xi32>
      %reduce_min3A_76 = arith.constant dense<2147483647> : vector<512xi32>
      %reduce_min3A_77 = vector.multi_reduction <minsi>, %select_n3A, %reduce_min3A_76 [0] : vector<1024x512xi32> to vector<512xi32>
      %broadcast_in_dim3A_78 = vector.shape_cast %reduce_min3A_77 : vector<512xi32> to vector<1x512xi32>
      %get3A_79 = arith.constant 1 : index
      %get3A_80 = arith.constant 0 : index
      %get3A_81 = vector.load %arg5[%get3A_79, %get3A_80] : memref<2x512xf32, #tpu.memory_space<vmem>>, vector<1x512xf32>
      %lt3A = arith.cmpf olt, %broadcast_in_dim3A_72, %get3A_81 : vector<1x512xf32>
      %get3A_82 = arith.constant 1 : index
      %get3A_83 = arith.constant 0 : index
      %get3A_84 = vector.load %arg5[%get3A_82, %get3A_83] : memref<2x512xf32, #tpu.memory_space<vmem>>, vector<1x512xf32>
      %select_n3A_85 = arith.select %lt3A, %broadcast_in_dim3A_72, %get3A_84 : vector<1x512xi1>, vector<1x512xf32>
      %swap3A = arith.constant 1 : index
      %swap3A_86 = arith.constant 0 : index
      %swap3A_87 = vector.load %arg5[%swap3A, %swap3A_86] : memref<2x512xf32, #tpu.memory_space<vmem>>, vector<1x512xf32>
      tpu.vector_store %arg5[%swap3A, %swap3A_86], %select_n3A_85 {strides = array<i32>} : memref<2x512xf32, #tpu.memory_space<vmem>>, vector<1x512xf32>,
      %get3A_88 = arith.constant 1 : index
      %get3A_89 = arith.constant 0 : index
      %get3A_90 = vector.load %arg6[%get3A_88, %get3A_89] : memref<2x512xi32, #tpu.memory_space<vmem>>, vector<1x512xi32>
      %select_n3A_91 = arith.select %lt3A, %broadcast_in_dim3A_78, %get3A_90 : vector<1x512xi1>, vector<1x512xi32>
      %swap3A_92 = arith.constant 1 : index
      %swap3A_93 = arith.constant 0 : index
      %swap3A_94 = vector.load %arg6[%swap3A_92, %swap3A_93] : memref<2x512xi32, #tpu.memory_space<vmem>>, vector<1x512xi32>
      tpu.vector_store %arg6[%swap3A_92, %swap3A_93], %select_n3A_91 {strides = array<i32>} : memref<2x512xi32, #tpu.memory_space<vmem>>, vector<1x512xi32>,
    } else {
    }
    %eq3A_51 = arith.constant 5 : i32
    %eq3A_52 = arith.cmpi eq, %arg1, %eq3A_51 : i32
    %convert_element_type3A_53 = arith.extui %eq3A_52 : i1 to i32
    %cond3A_54 = arith.constant 0 : i32
    %cond3A_55 = arith.cmpi ne, %convert_element_type3A_53, %cond3A_54 : i32
    scf.if %cond3A_55 {
      %reduce_min3A = arith.constant dense<0x7F800000> : vector<512xf32>
      %reduce_min3A_71 = vector.multi_reduction <minimumf>, %add3A_18, %reduce_min3A [0] : vector<1024x512xf32> to vector<512xf32>
      %broadcast_in_dim3A_72 = vector.shape_cast %reduce_min3A_71 : vector<512xf32> to vector<1x512xf32>
      %eq3A_73 = vector.broadcast %broadcast_in_dim3A_72 : vector<1x512xf32> to vector<1024x512xf32>
      %eq3A_74 = arith.cmpf oeq, %add3A_18, %eq3A_73 : vector<1024x512xf32>
      %jit3A = arith.constant 8192 : i32
      %broadcast_in_dim3A_75 = vector.broadcast %jit3A : i32 to vector<1024x512xi32>
      %select_n3A = arith.select %eq3A_74, %add3A_22, %broadcast_in_dim3A_75 : vector<1024x512xi1>, vector<1024x512xi32>
      %reduce_min3A_76 = arith.constant dense<2147483647> : vector<512xi32>
      %reduce_min3A_77 = vector.multi_reduction <minsi>, %select_n3A, %reduce_min3A_76 [0] : vector<1024x512xi32> to vector<512xi32>
      %broadcast_in_dim3A_78 = vector.shape_cast %reduce_min3A_77 : vector<512xi32> to vector<1x512xi32>
      %get3A_79 = arith.constant 1 : index
      %get3A_80 = arith.constant 0 : index
      %get3A_81 = vector.load %arg5[%get3A_79, %get3A_80] : memref<2x512xf32, #tpu.memory_space<vmem>>, vector<1x512xf32>
      %lt3A = arith.cmpf olt, %broadcast_in_dim3A_72, %get3A_81 : vector<1x512xf32>
      %get3A_82 = arith.constant 1 : index
      %get3A_83 = arith.constant 0 : index
      %get3A_84 = vector.load %arg5[%get3A_82, %get3A_83] : memref<2x512xf32, #tpu.memory_space<vmem>>, vector<1x512xf32>
      %select_n3A_85 = arith.select %lt3A, %broadcast_in_dim3A_72, %get3A_84 : vector<1x512xi1>, vector<1x512xf32>
      %swap3A = arith.constant 1 : index
      %swap3A_86 = arith.constant 0 : index
      %swap3A_87 = vector.load %arg5[%swap3A, %swap3A_86] : memref<2x512xf32, #tpu.memory_space<vmem>>, vector<1x512xf32>
      tpu.vector_store %arg5[%swap3A, %swap3A_86], %select_n3A_85 {strides = array<i32>} : memref<2x512xf32, #tpu.memory_space<vmem>>, vector<1x512xf32>,
      %get3A_88 = arith.constant 1 : index
      %get3A_89 = arith.constant 0 : index
      %get3A_90 = vector.load %arg6[%get3A_88, %get3A_89] : memref<2x512xi32, #tpu.memory_space<vmem>>, vector<1x512xi32>
      %select_n3A_91 = arith.select %lt3A, %broadcast_in_dim3A_78, %get3A_90 : vector<1x512xi1>, vector<1x512xi32>
      %swap3A_92 = arith.constant 1 : index
      %swap3A_93 = arith.constant 0 : index
      %swap3A_94 = vector.load %arg6[%swap3A_92, %swap3A_93] : memref<2x512xi32, #tpu.memory_space<vmem>>, vector<1x512xi32>
      tpu.vector_store %arg6[%swap3A_92, %swap3A_93], %select_n3A_91 {strides = array<i32>} : memref<2x512xi32, #tpu.memory_space<vmem>>, vector<1x512xi32>,
    } else {
    }
    %eq3A_56 = arith.constant 6 : i32
    %eq3A_57 = arith.cmpi eq, %arg1, %eq3A_56 : i32
    %convert_element_type3A_58 = arith.extui %eq3A_57 : i1 to i32
    %cond3A_59 = arith.constant 0 : i32
    %cond3A_60 = arith.cmpi ne, %convert_element_type3A_58, %cond3A_59 : i32
    scf.if %cond3A_60 {
      %reduce_min3A = arith.constant dense<0x7F800000> : vector<512xf32>
      %reduce_min3A_71 = vector.multi_reduction <minimumf>, %add3A_18, %reduce_min3A [0] : vector<1024x512xf32> to vector<512xf32>
      %broadcast_in_dim3A_72 = vector.shape_cast %reduce_min3A_71 : vector<512xf32> to vector<1x512xf32>
      %eq3A_73 = vector.broadcast %broadcast_in_dim3A_72 : vector<1x512xf32> to vector<1024x512xf32>
      %eq3A_74 = arith.cmpf oeq, %add3A_18, %eq3A_73 : vector<1024x512xf32>
      %jit3A = arith.constant 8192 : i32
      %broadcast_in_dim3A_75 = vector.broadcast %jit3A : i32 to vector<1024x512xi32>
      %select_n3A = arith.select %eq3A_74, %add3A_22, %broadcast_in_dim3A_75 : vector<1024x512xi1>, vector<1024x512xi32>
      %reduce_min3A_76 = arith.constant dense<2147483647> : vector<512xi32>
      %reduce_min3A_77 = vector.multi_reduction <minsi>, %select_n3A, %reduce_min3A_76 [0] : vector<1024x512xi32> to vector<512xi32>
      %broadcast_in_dim3A_78 = vector.shape_cast %reduce_min3A_77 : vector<512xi32> to vector<1x512xi32>
      %get3A_79 = arith.constant 1 : index
      %get3A_80 = arith.constant 0 : index
      %get3A_81 = vector.load %arg5[%get3A_79, %get3A_80] : memref<2x512xf32, #tpu.memory_space<vmem>>, vector<1x512xf32>
      %lt3A = arith.cmpf olt, %broadcast_in_dim3A_72, %get3A_81 : vector<1x512xf32>
      %get3A_82 = arith.constant 1 : index
      %get3A_83 = arith.constant 0 : index
      %get3A_84 = vector.load %arg5[%get3A_82, %get3A_83] : memref<2x512xf32, #tpu.memory_space<vmem>>, vector<1x512xf32>
      %select_n3A_85 = arith.select %lt3A, %broadcast_in_dim3A_72, %get3A_84 : vector<1x512xi1>, vector<1x512xf32>
      %swap3A = arith.constant 1 : index
      %swap3A_86 = arith.constant 0 : index
      %swap3A_87 = vector.load %arg5[%swap3A, %swap3A_86] : memref<2x512xf32, #tpu.memory_space<vmem>>, vector<1x512xf32>
      tpu.vector_store %arg5[%swap3A, %swap3A_86], %select_n3A_85 {strides = array<i32>} : memref<2x512xf32, #tpu.memory_space<vmem>>, vector<1x512xf32>,
      %get3A_88 = arith.constant 1 : index
      %get3A_89 = arith.constant 0 : index
      %get3A_90 = vector.load %arg6[%get3A_88, %get3A_89] : memref<2x512xi32, #tpu.memory_space<vmem>>, vector<1x512xi32>
      %select_n3A_91 = arith.select %lt3A, %broadcast_in_dim3A_78, %get3A_90 : vector<1x512xi1>, vector<1x512xi32>
      %swap3A_92 = arith.constant 1 : index
      %swap3A_93 = arith.constant 0 : index
      %swap3A_94 = vector.load %arg6[%swap3A_92, %swap3A_93] : memref<2x512xi32, #tpu.memory_space<vmem>>, vector<1x512xi32>
      tpu.vector_store %arg6[%swap3A_92, %swap3A_93], %select_n3A_91 {strides = array<i32>} : memref<2x512xi32, #tpu.memory_space<vmem>>, vector<1x512xi32>,
    } else {
    }
    %eq3A_61 = arith.constant 7 : i32
    %eq3A_62 = arith.cmpi eq, %arg1, %eq3A_61 : i32
    %convert_element_type3A_63 = arith.extui %eq3A_62 : i1 to i32
    %cond3A_64 = arith.constant 0 : i32
    %cond3A_65 = arith.cmpi ne, %convert_element_type3A_63, %cond3A_64 : i32
    scf.if %cond3A_65 {
      %reduce_min3A = arith.constant dense<0x7F800000> : vector<512xf32>
      %reduce_min3A_71 = vector.multi_reduction <minimumf>, %add3A_18, %reduce_min3A [0] : vector<1024x512xf32> to vector<512xf32>
      %broadcast_in_dim3A_72 = vector.shape_cast %reduce_min3A_71 : vector<512xf32> to vector<1x512xf32>
      %eq3A_73 = vector.broadcast %broadcast_in_dim3A_72 : vector<1x512xf32> to vector<1024x512xf32>
      %eq3A_74 = arith.cmpf oeq, %add3A_18, %eq3A_73 : vector<1024x512xf32>
      %jit3A = arith.constant 8192 : i32
      %broadcast_in_dim3A_75 = vector.broadcast %jit3A : i32 to vector<1024x512xi32>
      %select_n3A = arith.select %eq3A_74, %add3A_22, %broadcast_in_dim3A_75 : vector<1024x512xi1>, vector<1024x512xi32>
      %reduce_min3A_76 = arith.constant dense<2147483647> : vector<512xi32>
      %reduce_min3A_77 = vector.multi_reduction <minsi>, %select_n3A, %reduce_min3A_76 [0] : vector<1024x512xi32> to vector<512xi32>
      %broadcast_in_dim3A_78 = vector.shape_cast %reduce_min3A_77 : vector<512xi32> to vector<1x512xi32>
      %get3A_79 = arith.constant 1 : index
      %get3A_80 = arith.constant 0 : index
      %get3A_81 = vector.load %arg5[%get3A_79, %get3A_80] : memref<2x512xf32, #tpu.memory_space<vmem>>, vector<1x512xf32>
      %lt3A = arith.cmpf olt, %broadcast_in_dim3A_72, %get3A_81 : vector<1x512xf32>
      %get3A_82 = arith.constant 1 : index
      %get3A_83 = arith.constant 0 : index
      %get3A_84 = vector.load %arg5[%get3A_82, %get3A_83] : memref<2x512xf32, #tpu.memory_space<vmem>>, vector<1x512xf32>
      %select_n3A_85 = arith.select %lt3A, %broadcast_in_dim3A_72, %get3A_84 : vector<1x512xi1>, vector<1x512xf32>
      %swap3A = arith.constant 1 : index
      %swap3A_86 = arith.constant 0 : index
      %swap3A_87 = vector.load %arg5[%swap3A, %swap3A_86] : memref<2x512xf32, #tpu.memory_space<vmem>>, vector<1x512xf32>
      tpu.vector_store %arg5[%swap3A, %swap3A_86], %select_n3A_85 {strides = array<i32>} : memref<2x512xf32, #tpu.memory_space<vmem>>, vector<1x512xf32>,
      %get3A_88 = arith.constant 1 : index
      %get3A_89 = arith.constant 0 : index
      %get3A_90 = vector.load %arg6[%get3A_88, %get3A_89] : memref<2x512xi32, #tpu.memory_space<vmem>>, vector<1x512xi32>
      %select_n3A_91 = arith.select %lt3A, %broadcast_in_dim3A_78, %get3A_90 : vector<1x512xi1>, vector<1x512xi32>
      %swap3A_92 = arith.constant 1 : index
      %swap3A_93 = arith.constant 0 : index
      %swap3A_94 = vector.load %arg6[%swap3A_92, %swap3A_93] : memref<2x512xi32, #tpu.memory_space<vmem>>, vector<1x512xi32>
      tpu.vector_store %arg6[%swap3A_92, %swap3A_93], %select_n3A_91 {strides = array<i32>} : memref<2x512xi32, #tpu.memory_space<vmem>>, vector<1x512xi32>,
    } else {
    }
    %eq3A_66 = arith.constant 7 : i32
    %eq3A_67 = arith.cmpi eq, %arg1, %eq3A_66 : i32
    %convert_element_type3A_68 = arith.extui %eq3A_67 : i1 to i32
    %cond3A_69 = arith.constant 0 : i32
    %cond3A_70 = arith.cmpi ne, %convert_element_type3A_68, %cond3A_69 : i32
    scf.if %cond3A_70 {
      %get3A_71 = arith.constant 0 : index
      %get3A_72 = arith.constant 0 : index
      %get3A_73 = vector.load %arg5[%get3A_71, %get3A_72] : memref<2x512xf32, #tpu.memory_space<vmem>>, vector<1x512xf32>
      %convert_element_type3A_74 = arith.truncf %get3A_73 : vector<1x512xf32> to vector<1x512xbf16>
      %convert_element_type3A_75 = arith.extf %convert_element_type3A_74 : vector<1x512xbf16> to vector<1x512xf32>
      %get3A_76 = arith.constant 0 : index
      %get3A_77 = arith.constant 0 : index
      %get3A_78 = vector.load %arg6[%get3A_76, %get3A_77] : memref<2x512xi32, #tpu.memory_space<vmem>>, vector<1x512xi32>
      %get3A_79 = arith.constant 1 : index
      %get3A_80 = arith.constant 0 : index
      %get3A_81 = vector.load %arg5[%get3A_79, %get3A_80] : memref<2x512xf32, #tpu.memory_space<vmem>>, vector<1x512xf32>
      %lt3A = arith.cmpf olt, %get3A_81, %convert_element_type3A_75 : vector<1x512xf32>
      %get3A_82 = arith.constant 1 : index
      %get3A_83 = arith.constant 0 : index
      %get3A_84 = vector.load %arg6[%get3A_82, %get3A_83] : memref<2x512xi32, #tpu.memory_space<vmem>>, vector<1x512xi32>
      %select_n3A = arith.select %lt3A, %get3A_84, %get3A_78 : vector<1x512xi1>, vector<1x512xi32>
      %swap3A = arith.constant 0 : index
      %swap3A_85 = arith.constant 0 : index
      %swap3A_86 = arith.constant 0 : index
      %swap3A_87 = vector.load %arg4[%swap3A, %swap3A_85, %swap3A_86] : memref<1x1x512xi32, #tpu.memory_space<vmem>>, vector<1x1x512xi32>
      %swap3A_88 = vector.shape_cast %swap3A_87 : vector<1x1x512xi32> to vector<1x512xi32>
      %swap3A_89 = vector.shape_cast %select_n3A : vector<1x512xi32> to vector<1x1x512xi32>
      tpu.vector_store %arg4[%swap3A, %swap3A_85, %swap3A_86], %swap3A_89 {strides = array<i32>} : memref<1x1x512xi32, #tpu.memory_space<vmem>>, vector<1x1x512xi32>,
    } else {
    }
    return
  }
  func.func @transform_0(%arg0: i32, %arg1: i32) -> (i32, i32, i32) {
    %c0_i32 = arith.constant 0 : i32
    %c0_i32_0 = arith.constant 0 : i32
    %c0_i32_1 = arith.constant 0 : i32
    return %arg0, %c0_i32, %c0_i32_0 : i32, i32, i32
  }
  func.func @transform_1(%arg0: i32, %arg1: i32) -> (i32, i32) {
    %c0_i32 = arith.constant 0 : i32
    %c0_i32_0 = arith.constant 0 : i32
    return %arg1, %c0_i32 : i32, i32
  }
  func.func @transform_2(%arg0: i32, %arg1: i32) -> (i32, i32, i32) {
    %c0_i32 = arith.constant 0 : i32
    %c0_i32_0 = arith.constant 0 : i32
    %c0_i32_1 = arith.constant 0 : i32
    return %arg0, %c0_i32, %c0_i32_0 : i32, i32, i32
  }
}

</mosaic_0001>

<sc_bundles>
// kernel: kernel.5.cloned.1.call-start
scs
__scs_entry_jumppad:
0x0: {  	(pc) =	sbr.rel $0x88, $3  }
0x1: {  	(tag) =	ssettag $0x0;
	lr =	simm.s32 $0x1  }
0x2: {  	[smem:$0x3F9F] =	sst lr;
	_ =	strace $0xD0000000  }
0x3: {  	_ = 	snop  }
0x4: {  	_ = 	snop  }
0x5: {  	_ = 	snop  }
0x6: {  	_ = 	snop  }
0x7: {  	_ = 	snop  }
__scs_overlays_trampoline_lowered:
0x8: {  	[smem:$0x3FAE] =	sst s0  }
0x9: {  	[smem:$0x3FAF] =	sst s1  }
0xa: {  	[smem:$0x3FB0] =	sst s2  }
0xb: {  	[smem:$0x3FB1] =	sst s3  }
0xc: {  	[smem:$0x3FB2] =	sst s4  }
0xd: {  	[smem:$0x3FB3] =	sst s5  }
0xe: {  	[smem:$0x3FB4] =	sst s6  }
0xf: {  	[smem:$0x3FB5] =	sst s7  }
0x10: {  	[smem:$0x3FB6] =	sst s8  }
0x11: {  	[smem:$0x3FB7] =	sst s9;
	s0 =	simm.s32 @!p0 $0x0  }
0x12: {  	s1 =	sld [smem:$0x3F9D];
	s0 =	simm.s32 @p0 $0x1  }
0x13: {  	[smem:$0x3FB8] =	sst s0;
	s0 =	simm.s32 @!p1 $0x0  }
0x14: {  	s2 =	sld [smem:$0x3F9C];
	s0 =	simm.s32 @p1 $0x1  }
0x15: {  	[smem:$0x3FB9] =	sst s0;
	s0 =	simm.s32 @!p2 $0x0  }
0x16: {  	s3 =	sld [smem:$0x3FDB];
	s0 =	simm.s32 @p2 $0x1  }
0x17: {  	s4 =	simm.s32 $0x1BF5;
	[smem:$0x3FBB] =	sst s0  }
0x18: {  	s0 =	sld [smem:$0x3F9E];
	_ =	swait.ge [sflag:s4], $0x0  }
0x19: {  	s7 =	sld [smem:$0x3F9F]  }
0x1a: {  	s8 =	sadd.s32 $0xFFFFE003, lr  }
0x1b: {  	s9 =	sadd.s32 $0xFFFFFEF7, lr;
	s5 =	simm.s32 $0xFFFFFFFF;
	p2 =	slt.u32 s8, $0xFFFFF086  }
0x1c: {  	p1 =	slt.u32 s9, $0xF7A;
	s5 =	simm.s32 @!p2 $0x0  }
0x1d: {  	s5 =	simm.s32 @p1 $0x1;
	p0 =	seq.s32 s7, s2  }
0x1e: {  	s7 =	smul.u32 @!p0 $0xF7A, s2;
	p2 =	seq.s32 @!p0 s5, $0x0  }
0x1f: {  	s9 =	smul.u32 $0xF7A, s1;
	s8 =	simm.s32 @!p0 $0x1BF5;
	p2 =	por !p2, p0  }
0x20: {  	[sflag:s8] =	ssyncset.s32 @!p0 $0xFFFFF086;
	s6 =	sadd.s32 @!p0 s3, s7;
	s7 =	simm.s32 @!p0 $0x108  }
0x21: {  	s3 =	sadd.s32 s3, s9;
	s6 =	sadd.s32 @!p0 $0x88, s6;
	s7 =	simm.s32 @p2 $0x1082  }
0x22: {  	[simem:s7], [sflag:s8] =	dma.local @!p0 [hbm:s6], $0xF7A  }
0x23: {  	s9 =	sor.u32 $0xD0000000, s2;
	s6 =	simm.s32 $0x108;
	_ =	swait.ge @!p0 [sflag:s8], $0x0  }
0x24: {  	s3 =	sadd.s32 $0x88, s3;
	s6 =	simm.s32 @!p1 $0x1082;
	[sflag:s4] =	ssyncset.s32 $0xFFFFF086  }
0x25: {  	[simem:s6], [sflag:s4] =	dma.local [hbm:s3], $0xF7A  }
0x26: {  	[smem:$0x3F9F] =	sst s1;
	(tag) =	ssettag s2;
	_ =	strace s9  }
0x27: {  	s1 =	sld [smem:$0x3FAF]  }
0x28: {  	s2 =	sld [smem:$0x3FB0]  }
0x29: {  	s4 =	sld [smem:$0x3FB2]  }
0x2a: {  	p0 =	seq.s32 s5, $0x0;
	s5 =	sld [smem:$0x3FB3]  }
0x2b: {  	s6 =	sld [smem:$0x3FB4]  }
0x2c: {  	s7 =	sld [smem:$0x3FB5]  }
0x2d: {  	s3 =	simm.s32 $0x108;
	s8 =	sld [smem:$0x3FB6]  }
0x2e: {  	s3 =	simm.s32 @!p0 $0x1082;
	s9 =	sld [smem:$0x3FB7]  }
0x2f: {  	lr =	sadd.s32 s0, s3;
	s0 =	sld [smem:$0x3FAE]  }
0x30: {  	s3 =	sld [smem:$0x3FB1]  }
0x31: {  	[smem:$0x3FBA] =	sst s10  }
0x32: {  	s10 =	sld [smem:$0x3FB8];
	_ =	sdelay $0x3  }
0x33: {  	p0 =	seq.s32 s10, $0x1;
	s10 =	sld [smem:$0x3FBA];
	_ =	sdelay $0x3  }
0x34: {  	[smem:$0x3FBA] =	sst s10  }
0x35: {  	s10 =	sld [smem:$0x3FB9];
	_ =	sdelay $0x3  }
0x36: {  	p1 =	seq.s32 s10, $0x1;
	s10 =	sld [smem:$0x3FBA];
	_ =	sdelay $0x3  }
0x37: {  	[smem:$0x3FBA] =	sst s10  }
0x38: {  	s10 =	sld [smem:$0x3FBB]  }
0x39: {  	_ = 	snop;
	(pc) =	sbr.ind lr, $3  }
0x3a: {  	_ = 	snop  }
0x3b: {  	_ = 	snop  }
0x3c: {  	p2 =	seq.s32 s10, $0x1;
	s10 =	sld [smem:$0x3FBA]  }
0x3d: {  	_ =	shalt  }
0x3e: {  	_ =	shalt  }
0x3f: {  	_ =	shalt  }
0x40: {  	_ =	shalt  }
0x41: {  	_ =	shalt  }
0x42: {  	_ =	shalt  }
0x43: {  	_ =	shalt  }
0x44: {  	_ =	shalt  }
0x45: {  	_ =	shalt  }
0x46: {  	_ =	shalt  }
0x47: {  	_ =	shalt  }
0x48: {  	_ =	shalt  }
0x49: {  	_ =	shalt  }
0x4a: {  	_ =	shalt  }
0x4b: {  	_ =	shalt  }
0x4c: {  	_ =	shalt  }
0x4d: {  	_ =	shalt  }
0x4e: {  	_ =	shalt  }
0x4f: {  	_ =	shalt  }
0x50: {  	_ =	shalt  }
0x51: {  	_ =	shalt  }
0x52: {  	_ =	shalt  }
0x53: {  	_ =	shalt  }
0x54: {  	_ =	shalt  }
0x55: {  	_ =	shalt  }
0x56: {  	_ =	shalt  }
0x57: {  	_ =	shalt  }
0x58: {  	_ =	shalt  }
0x59: {  	_ =	shalt  }
0x5a: {  	_ =	shalt  }
0x5b: {  	_ =	shalt  }
0x5c: {  	_ =	shalt  }
0x5d: {  	_ =	shalt  }
0x5e: {  	_ =	shalt  }
0x5f: {  	_ =	shalt  }
0x60: {  	_ =	shalt  }
0x61: {  	_ =	shalt  }
0x62: {  	_ =	shalt  }
0x63: {  	_ =	shalt  }
0x64: {  	_ =	shalt  }
0x65: {  	_ =	shalt  }
0x66: {  	_ =	shalt  }
0x67: {  	_ =	shalt  }
0x68: {  	_ =	shalt  }
0x69: {  	_ =	shalt  }
0x6a: {  	_ =	shalt  }
0x6b: {  	_ =	shalt  }
0x6c: {  	_ =	shalt  }
0x6d: {  	_ =	shalt  }
0x6e: {  	_ =	shalt  }
0x6f: {  	_ =	shalt  }
0x70: {  	_ =	shalt  }
0x71: {  	_ =	shalt  }
0x72: {  	_ =	shalt  }
0x73: {  	_ =	shalt  }
0x74: {  	_ =	shalt  }
0x75: {  	_ =	shalt  }
0x76: {  	_ =	shalt  }
0x77: {  	_ =	shalt  }
0x78: {  	_ =	shalt  }
0x79: {  	_ =	shalt  }
0x7a: {  	_ =	shalt  }
0x7b: {  	_ =	shalt  }
0x7c: {  	_ =	shalt  }
0x7d: {  	_ =	shalt  }
0x7e: {  	_ =	shalt  }
0x7f: {  	_ =	shalt  }
0x80: {  	_ =	shalt  }
0x81: {  	_ =	shalt  }
0x82: {  	_ =	shalt  }
0x83: {  	_ =	shalt  }
0x84: {  	_ =	shalt  }
0x85: {  	_ =	shalt  }
0x86: {  	_ =	shalt  }
0x87: {  	_ =	shalt  }
.Lfunc_end0:
.L_simem_size_0:
called_computation_lowered:
.L_overlay_start_0:
0x88: {  	s2 =	sld [smem:$0x3FD9]  }
0x89: {  	s3 =	sld [smem:$0x3FFE];
	_ =	sdelay $0x1  }
0x8a: {  	s1 =	srdreg.scid  }
0x8b: {  	s0 =	sand.u32 $0x1, s1  }
0x8c: {  	s14 =	sshll.u32 s0, $0xA;
	s2 =	sadd.s32 s3, s2  }
0x8d: {  	s2 =	sadd.s32 s2, s14  }
0x8e: {  	[smem:$0x3FC6] =	sst s2  }
0x8f: {  	_ = 	snop  }
0x90: {  	s2 =	sld [smem:$0x3FD0];
	_ =	sdelay $0x2  }
0x91: {  	s4 =	simm.s32 $0xA;
	s5 =	simm.s32 $0x10;
	s15 =	sld [smem:$0x3FC8]  }
0x92: {  	[smem:s5], [sflag:s4] =	dma.local [hbm:s2], $0x1  }
0x93: {  	_ =	swait.eq [sflag:s4], $0x1  }
0x94: {  	[sflag:s4] =	ssyncset.done $0x0  }
0x95: {  	[sflag:s4] =	ssyncadd.s32 $0xFFFFFFFF  }
0x96: {  	s16 =	sld [smem:$0x10];
	(tm) =	ssettm $0x1  }
0x97: {  	s17 =	sld [smem:$0x3FFB];
	_ =	sdelay $0x3  }
0x98: {  	_ =	strace s17  }
0x99: {  	s4 =	sld [smem:$0x3FFC];
	_ =	sdelay $0x3  }
0x9a: {  	_ =	strace s4  }
0x9b: {  	s4 =	sld [smem:$0x3FFD];
	_ =	sdelay $0x3  }
0x9c: {  	_ =	strace s4  }
0x9d: {  	_ =	strace $0x8FFFFFFF  }
0x9e: {  	s18 =	sld [smem:$0x3FDB];
	_ =	sdelay $0x1  }
0x9f: {  	s19 =	simm.s32 $_scs_section_size  }
0xa0: {  	s6 =	simm.s32 $_size__tile_overlayer_lowered;
	s7 =	simm.s32 $_tile_overlayer_lowered  }
0xa1: {  	s22 =	simm.s32 $0x1BFF;
	s21 =	sshll.u32 s7, $0x1;
	s4 =	sadd.s32 s19, s18  }
0xa2: {  	s8 =	simm.s32 $0x0;
	s20 =	sshll.u32 s6, $0x1;
	s6 =	sadd.s32 s21, s4  }
0xa3: {  	[timem:s8], [sflag:s22] =	dma.local [hbm:s6], s20  }
0xa4: {  	_ =	swait.ge [sflag:s22], s20  }
0xa5: {  	s5 =	ssub.s32 $0x0, s20;
	[sflag:s22] =	ssyncset.done $0x0  }
0xa6: {  	[sflag:s22] =	ssyncadd.s32 s5;
	_ =	sdelay $0x1  }
0xa7: {  	s23 =	simm.s32 $0x1B8B  }
0xa8: {  	_ =	swait.ge [sflag:s23], $0x1  }
0xa9: {  	[sflag:s23] =	ssyncset.done $0x0  }
0xaa: {  	s25 =	simm.s32 $0x1B8E;
	s24 =	sld [smem:$0x3FFE];
	[sflag:s23] =	ssyncadd.s32 $0xFFFFFFFF  }
0xab: {  	s26 =	simm.s32 $execute0_lowered;
	[smem:$0x3FD2] =	sst s25  }
0xac: {  	s6 =	sshll.u32 s26, $0x1;
	_ =	strace $0x80000046;
	[dreg:$0x1] =	wrdreg $0xFFFFFFFF  }
0xad: {  	s28 =	simm.s32 $_size_execute0_lowered;
	s4 =	sadd.s32 s4, s6;
	[dreg:$0x0] =	wrdreg $0x0  }
0xae: {  	s6 =	sshll.u32 s28, $0x1;
	[dreg:$0x2] =	wrdreg s4  }
0xaf: {  	[dreg:$0x3] =	wrdreg s6  }
0xb0: {  	[dreg:$0x4] =	wrdreg $0xC0  }
0xb1: {  	_ =	task [dreg:s8], $0x5FFFF  }
0xb2: {  	[dreg:$0x1] =	wrdreg $0xFFFFFFFF  }
0xb3: {  	[dreg:$0x0] =	wrdreg $0x60  }
0xb4: {  	[dreg:$0x2] =	wrdreg s15  }
0xb5: {  	[dreg:$0x3] =	wrdreg s24  }
0xb6: {  	[dreg:$0x4] =	wrdreg s16  }
0xb7: {  	[dreg:$0x5] =	wrdreg $0x104000  }
0xb8: {  	[dreg:$0x6] =	wrdreg $0x9  }
0xb9: {  	_ =	task.clear_ibuf [dreg:s8], $0x7FFFF;
	_ =	strace $0x90000046  }
0xba: {  	s29 =	simm.s32 $0x9;
	_ =	strace $0x80000048  }
0xbb: {  	_ =	swait.ge [sflag:s29], $0x1  }
0xbc: {  	[sflag:s29] =	ssyncadd.s32 $0xFFFFFFFF  }
0xbd: {  	_ =	strace $0x90000048  }
0xbe: {  	_ =	sfence  }
0xbf: {  	s30 =	sld [smem:$0x0];
	_ =	sdelay $0x2  }
0xc0: {  	s31 =	sshll.u32 s1, $0xD;
	s1 =	sshrl.u32 s1, $0x2  }
0xc1: {  	s3 =	sand.u32 $0x4000, s31;
	s1 =	sadd.s32 s1, s30  }
0xc2: {  	s0 =	sor.u32 s3, s0;
	s1 =	sshll.u32 s1, $0x11  }
0xc3: {  	s0 =	sor.u32 s1, s0  }
0xc4: {  	s0 =	sadd.s32 $0x8F2B, s0  }
0xc5: {  	[sflag:s0] =	ssyncadd.remote.s32 $0x1  }
0xc6: {  	_ =	sfence.sel $0xFFFF  }
0xc7: {  	[dreg:$0x0] =	wrdreg $0xFFFFFFFF;
	(pc) =	sbr.abs _section_cstart, $3  }
0xc8: {  	[dreg:$0x1] =	wrdreg $0xFFFFFFFF  }
0xc9: {  	_ =	task.clear_ibuf [dreg:s8], $0x2FFFF;
	_ =	strace $0x9FFFFFFF  }
0xca: {  	(tm) =	ssettm $0x7FFFFFFF  }
0xcb: {  	_ =	shalt  }
tec
execute0_lowered:
.L_overlay_start_1:
0x0: {  	(tag) =	ssettag $0x1  }
0x1: {  	s1 =	rddreg [dreg:$0x0]  }
0x2: {  	s5 =	rddreg [dreg:$0x1]  }
0x3: {  	s6 =	rddreg [dreg:$0x2]  }
0x4: {  	s0 =	srdreg.scid;
	s3 =	rddreg [dreg:$0x3]  }
0x5: {  	s4 =	simm.s32 $0x0;
	s7 =	sand.u32 $0x1, s0;
	s0 =	rddreg [dreg:$0x4]  }
0x6: {  	s12 =	simm.s32 $0x2900;
	[smem:$0x7FF] =	sst s4  }
0x7: {  	s13 =	simm.s32 $0x3100;
	_ =	strace $0x80000047;
	[dreg:$0xc] =	wrdreg s12  }
0x8: {  	s14 =	simm.s32 $0x3900;
	[dreg:$0xd] =	wrdreg s13  }
0x9: {  	s15 =	simm.s32 $0x4100;
	[dreg:$0xe] =	wrdreg s14  }
0xa: {  	s16 =	simm.s32 $0x4900;
	[dreg:$0xf] =	wrdreg s15  }
0xb: {  	s17 =	simm.s32 $0x5100;
	[dreg:$0x10] =	wrdreg s16  }
0xc: {  	s2 =	stileid.u32;
	s18 =	simm.s32 $0x5900;
	[dreg:$0x11] =	wrdreg s17  }
0xd: {  	s19 =	simm.s32 $0x6100;
	s21 =	simm.s32 $0x6900;
	[dreg:$0x12] =	wrdreg s18  }
0xe: {  	s22 =	simm.s32 $0x7100;
	s24 =	simm.s32 $0x7900;
	[dreg:$0x13] =	wrdreg s19  }
0xf: {  	s25 =	simm.s32 $0x8900;
	s28 =	simm.s32 $0x10;
	[dreg:$0x14] =	wrdreg s21  }
0x10: {  	s9 =	sshll.u32 s2, $0x5;
	s31 =	sshll.u32 s2, $0x7;
	[dreg:$0x15] =	wrdreg s22  }
0x11: {  	s23 =	sshll.u32 s2, $0x9;
	s8 =	sshll.u32 s7, $0x4;
	[dreg:$0x16] =	wrdreg s24  }
0x12: {  	s9 =	sand.u32 $0x60, s9;
	s7 =	ssub.s32 $0x2, s7;
	[dreg:$0x17] =	wrdreg s25  }
0x13: {  	s12 =	simm.s32 $0xB900;
	s13 =	simm.s32 $0xC100;
	s14 =	simm.s32 $0xC900  }
0x14: {  	s15 =	simm.s32 $0xD100;
	s16 =	simm.s32 $0xD900;
	s17 =	simm.s32 $0xE100  }
0x15: {  	s18 =	simm.s32 $0xE900;
	s19 =	simm.s32 $0xF100;
	s21 =	simm.s32 $0x1  }
0x16: {  	s22 =	simm.s32 $0x10200;
	s24 =	simm.s32 $0x10100;
	s25 =	simm.s32 $0x10180  }
0x17: {  	s10 =	sor.u32 s2, s8;
	s9 =	sadd.s32 s9, s5;
	s8 =	sadd.s32 s8, s5  }
0x18: {  	s20 =	sshrl.u32 s7, $0x1;
	s11 =	sshll.u32 s10, $0x5;
	s29 =	sshll.u32 s10, $0xD  }
0x19: {  	s10 =	simm.s32 $0x1900;
	s7 =	ssub.s32 s7, s20;
	s5 =	sadd.s32 s6, s29  }
0x1a: {  	s6 =	sadd.s32 s31, s8;
	s8 =	simm.s32 $0x900;
	[dreg:$0xa] =	wrdreg s10  }
0x1b: {  	s20 =	simm.s32 $0xF900;
	s29 =	simm.s32 $0x9900;
	[dreg:$0x8] =	wrdreg s8  }
0x1c: {  	s11 =	sand.u32 $0x380, s11;
	s31 =	simm.s32 $0xA900;
	[dreg:$0x19] =	wrdreg s29  }
0x1d: {  	s26 =	sadd.s32 s11, s9;
	s9 =	sadd.s32 $0x1000, s5;
	[dreg:$0x1b] =	wrdreg s31  }
0x1e: {  	s7 =	smax.u32 s7, $0x1;
	s6 =	sadd.s32 $0x2000, s6;
	[dreg:$0x6] =	wrdreg s9  }
0x1f: {  	s10 =	simm.s32 $0x8100;
	s11 =	simm.s32 $0x2100;
	[dreg:$0x7] =	wrdreg s6  }
0x20: {  	s8 =	simm.s32 $0x2;
	s30 =	sadd.s32 $0x1C00, s26;
	[dreg:$0xb] =	wrdreg s11  }
0x21: {  	s9 =	simm.s32 $0x1100;
	s6 =	sadd.s32 s23, s3;
	[dreg:$0x5] =	wrdreg s30  }
0x22: {  	v2 =	vlaneseq.u32;
	vm0 =	vmmov $0xffff;
	s26 =	simm.s32 $0x9100;
	s11 =	simm.s32 $0xB100;
	[dreg:$0x9] =	wrdreg s9  }
0x23: {  	v3 =	vimm.f32 $0.0e+00;
	v4 =	vimm.f32 $1.000000000e+00;
	v1 =	vshrl.u32 v2, $0x3;
	s23 =	simm.s32 $0x80;
	[dreg:$0x18] =	wrdreg s26;
	s30 =	simm.s32 $0xA100  }
0x24: {  	v0 =	vand.u32 $0x7, v2;
	v2 =	vor.u32 $0x8, v2;
	v1 =	vmul.u32 $0x8, v1;
	s9 =	simm.s32 $0x100;
	s26 =	simm.s32 $0x20;
	[dreg:$0x1a] =	wrdreg s30  }
.LBB2_1:
0x25: {  	s29 =	rddreg [dreg:$0x5]  }
0x26: {  	[tilespmem:s4], [sflag:$0x2] =	stream.linear.gather [hbm4b:s29+s4], $0x100, $0x38;
	[tilespmem:$0x10600] =	vst v63  }
0x27: {  	_ =	swait.ge [sflag:s8], $0x100  }
0x28: {  	[sflag:s8] =	ssyncset.done $0x0  }
0x29: {  	[sflag:s8] =	ssyncadd.s32 $0xFFFFFF00  }
0x2a: {  	v5 =	vld [tilespmem:$0x0];
	_ =	sdelay $0x4  }
0x2b: {  	v6 =	vshll.u32 v5, $0x1  }
0x2c: {  	v5 =	vand.u32 $0x7, v5;
	v6 =	vand.u32 $0xFFFFFFF0, v6  }
0x2d: {  	v5 =	vor.u32 v5, v6  }
0x2e: {  	v6 =	vperm.xlane v5, v0;
	_ =	sdelay $0x1  }
0x2f: {  	v5 =	vperm.xlane v5, v2;
	v6 =	vadd.s32 v1, v6;
	_ =	sdelay $0x1  }
0x30: {  	v5 =	vadd.s32 v1, v5;
	_ =	sdelay $0x2  }
0x31: {  	[tilespmem:s9], [sflag:$0x1] =	stream.indirect_vreg.gather [hbm4b:s1+s4], $0x80, v6, vm0, $0xb8;
	[tilespmem:$0x10600] =	vst v63  }
0x32: {  	s30 =	rddreg [dreg:$0x8]  }
0x33: {  	[tilespmem:s30], [sflag:$0x1] =	stream.indirect_vreg.gather [hbm4b:s1+s4], $0x80, v5, vm0, $0xb8;
	[tilespmem:$0x10600] =	vst v63  }
0x34: {  	v5 =	vld [tilespmem:$0x10];
	_ =	sdelay $0x4  }
0x35: {  	v6 =	vshll.u32 v5, $0x1  }
0x36: {  	v5 =	vand.u32 $0x7, v5;
	v6 =	vand.u32 $0xFFFFFFF0, v6  }
0x37: {  	v5 =	vor.u32 v5, v6  }
0x38: {  	v6 =	vperm.xlane v5, v0;
	_ =	sdelay $0x1  }
0x39: {  	v5 =	vperm.xlane v5, v2;
	v6 =	vadd.s32 v1, v6;
	_ =	sdelay $0x1  }
0x3a: {  	v5 =	vadd.s32 v1, v5;
	_ =	sdelay $0x1  }
0x3b: {  	s31 =	rddreg [dreg:$0x9]  }
0x3c: {  	[tilespmem:s31], [sflag:$0x1] =	stream.indirect_vreg.gather [hbm4b:s1+s4], $0x80, v6, vm0, $0xb8;
	[tilespmem:$0x10600] =	vst v63  }
0x3d: {  	s30 =	rddreg [dreg:$0xa]  }
0x3e: {  	[tilespmem:s30], [sflag:$0x1] =	stream.indirect_vreg.gather [hbm4b:s1+s4], $0x80, v5, vm0, $0xb8;
	[tilespmem:$0x10600] =	vst v63  }
0x3f: {  	v5 =	vld [tilespmem:$0x20];
	_ =	sdelay $0x4  }
0x40: {  	v6 =	vshll.u32 v5, $0x1  }
0x41: {  	v5 =	vand.u32 $0x7, v5;
	v6 =	vand.u32 $0xFFFFFFF0, v6  }
0x42: {  	v5 =	vor.u32 v5, v6  }
0x43: {  	v6 =	vperm.xlane v5, v0;
	_ =	sdelay $0x1  }
0x44: {  	v5 =	vperm.xlane v5, v2;
	v6 =	vadd.s32 v1, v6;
	_ =	sdelay $0x1  }
0x45: {  	v5 =	vadd.s32 v1, v5;
	_ =	sdelay $0x1  }
0x46: {  	s29 =	rddreg [dreg:$0xb]  }
0x47: {  	[tilespmem:s29], [sflag:$0x1] =	stream.indirect_vreg.gather [hbm4b:s1+s4], $0x80, v6, vm0, $0xb8;
	[tilespmem:$0x10600] =	vst v63  }
0x48: {  	s31 =	rddreg [dreg:$0xc]  }
0x49: {  	[tilespmem:s31], [sflag:$0x1] =	stream.indirect_vreg.gather [hbm4b:s1+s4], $0x80, v5, vm0, $0xb8;
	[tilespmem:$0x10600] =	vst v63  }
0x4a: {  	v5 =	vld [tilespmem:$0x30];
	_ =	sdelay $0x4  }
0x4b: {  	v6 =	vshll.u32 v5, $0x1  }
0x4c: {  	v5 =	vand.u32 $0x7, v5;
	v6 =	vand.u32 $0xFFFFFFF0, v6  }
0x4d: {  	v5 =	vor.u32 v5, v6  }
0x4e: {  	v6 =	vperm.xlane v5, v0;
	_ =	sdelay $0x1  }
0x4f: {  	v5 =	vperm.xlane v5, v2;
	v6 =	vadd.s32 v1, v6;
	_ =	sdelay $0x1  }
0x50: {  	v5 =	vadd.s32 v1, v5;
	_ =	sdelay $0x1  }
0x51: {  	s29 =	rddreg [dreg:$0xd]  }
0x52: {  	[tilespmem:s29], [sflag:$0x1] =	stream.indirect_vreg.gather [hbm4b:s1+s4], $0x80, v6, vm0, $0xb8;
	[tilespmem:$0x10600] =	vst v63  }
0x53: {  	s31 =	rddreg [dreg:$0xe]  }
0x54: {  	[tilespmem:s31], [sflag:$0x1] =	stream.indirect_vreg.gather [hbm4b:s1+s4], $0x80, v5, vm0, $0xb8;
	[tilespmem:$0x10600] =	vst v63  }
0x55: {  	v5 =	vld [tilespmem:$0x40];
	_ =	sdelay $0x4  }
0x56: {  	v6 =	vshll.u32 v5, $0x1  }
0x57: {  	v5 =	vand.u32 $0x7, v5;
	v6 =	vand.u32 $0xFFFFFFF0, v6  }
0x58: {  	v5 =	vor.u32 v5, v6  }
0x59: {  	v6 =	vperm.xlane v5, v0;
	_ =	sdelay $0x1  }
0x5a: {  	v5 =	vperm.xlane v5, v2;
	v6 =	vadd.s32 v1, v6;
	_ =	sdelay $0x1  }
0x5b: {  	v5 =	vadd.s32 v1, v5;
	_ =	sdelay $0x1  }
0x5c: {  	s29 =	rddreg [dreg:$0xf]  }
0x5d: {  	[tilespmem:s29], [sflag:$0x1] =	stream.indirect_vreg.gather [hbm4b:s1+s4], $0x80, v6, vm0, $0xb8;
	[tilespmem:$0x10600] =	vst v63  }
0x5e: {  	s31 =	rddreg [dreg:$0x10]  }
0x5f: {  	[tilespmem:s31], [sflag:$0x1] =	stream.indirect_vreg.gather [hbm4b:s1+s4], $0x80, v5, vm0, $0xb8;
	[tilespmem:$0x10600] =	vst v63  }
0x60: {  	v5 =	vld [tilespmem:$0x50];
	_ =	sdelay $0x4  }
0x61: {  	v6 =	vshll.u32 v5, $0x1  }
0x62: {  	v5 =	vand.u32 $0x7, v5;
	v6 =	vand.u32 $0xFFFFFFF0, v6  }
0x63: {  	v5 =	vor.u32 v5, v6  }
0x64: {  	v6 =	vperm.xlane v5, v0;
	_ =	sdelay $0x1  }
0x65: {  	v5 =	vperm.xlane v5, v2;
	v6 =	vadd.s32 v1, v6;
	_ =	sdelay $0x1  }
0x66: {  	v5 =	vadd.s32 v1, v5;
	_ =	sdelay $0x1  }
0x67: {  	s29 =	rddreg [dreg:$0x11]  }
0x68: {  	[tilespmem:s29], [sflag:$0x1] =	stream.indirect_vreg.gather [hbm4b:s1+s4], $0x80, v6, vm0, $0xb8;
	[tilespmem:$0x10600] =	vst v63  }
0x69: {  	s31 =	rddreg [dreg:$0x12]  }
0x6a: {  	[tilespmem:s31], [sflag:$0x1] =	stream.indirect_vreg.gather [hbm4b:s1+s4], $0x80, v5, vm0, $0xb8;
	[tilespmem:$0x10600] =	vst v63  }
0x6b: {  	v5 =	vld [tilespmem:$0x60];
	_ =	sdelay $0x4  }
0x6c: {  	v6 =	vshll.u32 v5, $0x1  }
0x6d: {  	v5 =	vand.u32 $0x7, v5;
	v6 =	vand.u32 $0xFFFFFFF0, v6  }
0x6e: {  	v5 =	vor.u32 v5, v6  }
0x6f: {  	v6 =	vperm.xlane v5, v0;
	_ =	sdelay $0x1  }
0x70: {  	v5 =	vperm.xlane v5, v2;
	v6 =	vadd.s32 v1, v6;
	_ =	sdelay $0x1  }
0x71: {  	v5 =	vadd.s32 v1, v5;
	_ =	sdelay $0x1  }
0x72: {  	s29 =	rddreg [dreg:$0x13]  }
0x73: {  	[tilespmem:s29], [sflag:$0x1] =	stream.indirect_vreg.gather [hbm4b:s1+s4], $0x80, v6, vm0, $0xb8;
	[tilespmem:$0x10600] =	vst v63  }
0x74: {  	s31 =	rddreg [dreg:$0x14]  }
0x75: {  	[tilespmem:s31], [sflag:$0x1] =	stream.indirect_vreg.gather [hbm4b:s1+s4], $0x80, v5, vm0, $0xb8;
	[tilespmem:$0x10600] =	vst v63  }
0x76: {  	v5 =	vld [tilespmem:$0x70];
	_ =	sdelay $0x4  }
0x77: {  	v6 =	vshll.u32 v5, $0x1  }
0x78: {  	v5 =	vand.u32 $0x7, v5;
	v6 =	vand.u32 $0xFFFFFFF0, v6  }
0x79: {  	v5 =	vor.u32 v5, v6  }
0x7a: {  	v6 =	vperm.xlane v5, v0;
	_ =	sdelay $0x1  }
0x7b: {  	v5 =	vperm.xlane v5, v2;
	v6 =	vadd.s32 v1, v6;
	_ =	sdelay $0x1  }
0x7c: {  	v5 =	vadd.s32 v1, v5;
	_ =	sdelay $0x1  }
0x7d: {  	s29 =	rddreg [dreg:$0x15]  }
0x7e: {  	[tilespmem:s29], [sflag:$0x1] =	stream.indirect_vreg.gather [hbm4b:s1+s4], $0x80, v6, vm0, $0xb8;
	[tilespmem:$0x10600] =	vst v63  }
0x7f: {  	s31 =	rddreg [dreg:$0x16]  }
0x80: {  	[tilespmem:s31], [sflag:$0x1] =	stream.indirect_vreg.gather [hbm4b:s1+s4], $0x80, v5, vm0, $0xb8;
	[tilespmem:$0x10600] =	vst v63  }
0x81: {  	v5 =	vld [tilespmem:$0x80];
	_ =	sdelay $0x4  }
0x82: {  	v6 =	vshll.u32 v5, $0x1  }
0x83: {  	v5 =	vand.u32 $0x7, v5;
	v6 =	vand.u32 $0xFFFFFFF0, v6  }
0x84: {  	v5 =	vor.u32 v5, v6  }
0x85: {  	v6 =	vperm.xlane v5, v0;
	_ =	sdelay $0x1  }
0x86: {  	v5 =	vperm.xlane v5, v2;
	v6 =	vadd.s32 v1, v6;
	_ =	sdelay $0x1  }
0x87: {  	v5 =	vadd.s32 v1, v5;
	_ =	sdelay $0x2  }
0x88: {  	[tilespmem:s10], [sflag:$0x1] =	stream.indirect_vreg.gather [hbm4b:s1+s4], $0x80, v6, vm0, $0xb8;
	[tilespmem:$0x10600] =	vst v63  }
0x89: {  	s30 =	rddreg [dreg:$0x17]  }
0x8a: {  	[tilespmem:s30], [sflag:$0x1] =	stream.indirect_vreg.gather [hbm4b:s1+s4], $0x80, v5, vm0, $0xb8;
	[tilespmem:$0x10600] =	vst v63  }
0x8b: {  	v5 =	vld [tilespmem:$0x90];
	_ =	sdelay $0x4  }
0x8c: {  	v6 =	vshll.u32 v5, $0x1  }
0x8d: {  	v5 =	vand.u32 $0x7, v5;
	v6 =	vand.u32 $0xFFFFFFF0, v6  }
0x8e: {  	v5 =	vor.u32 v5, v6  }
0x8f: {  	v6 =	vperm.xlane v5, v0;
	_ =	sdelay $0x1  }
0x90: {  	v5 =	vperm.xlane v5, v2;
	v6 =	vadd.s32 v1, v6;
	_ =	sdelay $0x1  }
0x91: {  	v5 =	vadd.s32 v1, v5;
	_ =	sdelay $0x1  }
0x92: {  	s29 =	rddreg [dreg:$0x18]  }
0x93: {  	[tilespmem:s29], [sflag:$0x1] =	stream.indirect_vreg.gather [hbm4b:s1+s4], $0x80, v6, vm0, $0xb8;
	[tilespmem:$0x10600] =	vst v63  }
0x94: {  	s31 =	rddreg [dreg:$0x19]  }
0x95: {  	[tilespmem:s31], [sflag:$0x1] =	stream.indirect_vreg.gather [hbm4b:s1+s4], $0x80, v5, vm0, $0xb8;
	[tilespmem:$0x10600] =	vst v63  }
0x96: {  	v5 =	vld [tilespmem:$0xA0];
	_ =	sdelay $0x4  }
0x97: {  	v6 =	vshll.u32 v5, $0x1  }
0x98: {  	v5 =	vand.u32 $0x7, v5;
	v6 =	vand.u32 $0xFFFFFFF0, v6  }
0x99: {  	v5 =	vor.u32 v5, v6  }
0x9a: {  	v6 =	vperm.xlane v5, v0;
	_ =	sdelay $0x1  }
0x9b: {  	v5 =	vperm.xlane v5, v2;
	v6 =	vadd.s32 v1, v6;
	_ =	sdelay $0x1  }
0x9c: {  	v5 =	vadd.s32 v1, v5;
	_ =	sdelay $0x1  }
0x9d: {  	s29 =	rddreg [dreg:$0x1a]  }
0x9e: {  	[tilespmem:s29], [sflag:$0x1] =	stream.indirect_vreg.gather [hbm4b:s1+s4], $0x80, v6, vm0, $0xb8;
	[tilespmem:$0x10600] =	vst v63  }
0x9f: {  	s31 =	rddreg [dreg:$0x1b]  }
0xa0: {  	[tilespmem:s31], [sflag:$0x1] =	stream.indirect_vreg.gather [hbm4b:s1+s4], $0x80, v5, vm0, $0xb8;
	[tilespmem:$0x10600] =	vst v63  }
0xa1: {  	v5 =	vld [tilespmem:$0xB0];
	_ =	sdelay $0x4  }
0xa2: {  	v6 =	vshll.u32 v5, $0x1  }
0xa3: {  	v5 =	vand.u32 $0x7, v5;
	v6 =	vand.u32 $0xFFFFFFF0, v6  }
0xa4: {  	v5 =	vor.u32 v5, v6  }
0xa5: {  	v6 =	vperm.xlane v5, v0;
	_ =	sdelay $0x1  }
0xa6: {  	v5 =	vperm.xlane v5, v2;
	v6 =	vadd.s32 v1, v6;
	_ =	sdelay $0x1  }
0xa7: {  	v5 =	vadd.s32 v1, v5;
	_ =	sdelay $0x2  }
0xa8: {  	[tilespmem:s11], [sflag:$0x1] =	stream.indirect_vreg.gather [hbm4b:s1+s4], $0x80, v6, vm0, $0xb8;
	[tilespmem:$0x10600] =	vst v63  }
0xa9: {  	_ = 	snop  }
0xaa: {  	[tilespmem:s12], [sflag:$0x1] =	stream.indirect_vreg.gather [hbm4b:s1+s4], $0x80, v5, vm0, $0xb8;
	[tilespmem:$0x10600] =	vst v63  }
0xab: {  	v5 =	vld [tilespmem:$0xC0];
	_ =	sdelay $0x4  }
0xac: {  	v6 =	vshll.u32 v5, $0x1  }
0xad: {  	v5 =	vand.u32 $0x7, v5;
	v6 =	vand.u32 $0xFFFFFFF0, v6  }
0xae: {  	v5 =	vor.u32 v5, v6  }
0xaf: {  	v6 =	vperm.xlane v5, v0;
	_ =	sdelay $0x1  }
0xb0: {  	v5 =	vperm.xlane v5, v2;
	v6 =	vadd.s32 v1, v6;
	_ =	sdelay $0x1  }
0xb1: {  	v5 =	vadd.s32 v1, v5;
	_ =	sdelay $0x2  }
0xb2: {  	[tilespmem:s13], [sflag:$0x1] =	stream.indirect_vreg.gather [hbm4b:s1+s4], $0x80, v6, vm0, $0xb8;
	[tilespmem:$0x10600] =	vst v63  }
0xb3: {  	_ = 	snop  }
0xb4: {  	[tilespmem:s14], [sflag:$0x1] =	stream.indirect_vreg.gather [hbm4b:s1+s4], $0x80, v5, vm0, $0xb8;
	[tilespmem:$0x10600] =	vst v63  }
0xb5: {  	v5 =	vld [tilespmem:$0xD0];
	_ =	sdelay $0x4  }
0xb6: {  	v6 =	vshll.u32 v5, $0x1  }
0xb7: {  	v5 =	vand.u32 $0x7, v5;
	v6 =	vand.u32 $0xFFFFFFF0, v6  }
0xb8: {  	v5 =	vor.u32 v5, v6  }
0xb9: {  	v6 =	vperm.xlane v5, v0;
	_ =	sdelay $0x1  }
0xba: {  	v5 =	vperm.xlane v5, v2;
	v6 =	vadd.s32 v1, v6;
	_ =	sdelay $0x1  }
0xbb: {  	v5 =	vadd.s32 v1, v5;
	_ =	sdelay $0x2  }
0xbc: {  	[tilespmem:s15], [sflag:$0x1] =	stream.indirect_vreg.gather [hbm4b:s1+s4], $0x80, v6, vm0, $0xb8;
	[tilespmem:$0x10600] =	vst v63  }
0xbd: {  	_ = 	snop  }
0xbe: {  	[tilespmem:s16], [sflag:$0x1] =	stream.indirect_vreg.gather [hbm4b:s1+s4], $0x80, v5, vm0, $0xb8;
	[tilespmem:$0x10600] =	vst v63  }
0xbf: {  	v5 =	vld [tilespmem:$0xE0];
	_ =	sdelay $0x4  }
0xc0: {  	v6 =	vshll.u32 v5, $0x1  }
0xc1: {  	v5 =	vand.u32 $0x7, v5;
	v6 =	vand.u32 $0xFFFFFFF0, v6  }
0xc2: {  	v5 =	vor.u32 v5, v6  }
0xc3: {  	v6 =	vperm.xlane v5, v0;
	_ =	sdelay $0x1  }
0xc4: {  	v5 =	vperm.xlane v5, v2;
	v6 =	vadd.s32 v1, v6;
	_ =	sdelay $0x1  }
0xc5: {  	v5 =	vadd.s32 v1, v5;
	_ =	sdelay $0x2  }
0xc6: {  	[tilespmem:s17], [sflag:$0x1] =	stream.indirect_vreg.gather [hbm4b:s1+s4], $0x80, v6, vm0, $0xb8;
	[tilespmem:$0x10600] =	vst v63  }
0xc7: {  	_ = 	snop  }
0xc8: {  	[tilespmem:s18], [sflag:$0x1] =	stream.indirect_vreg.gather [hbm4b:s1+s4], $0x80, v5, vm0, $0xb8;
	[tilespmem:$0x10600] =	vst v63  }
0xc9: {  	v5 =	vld [tilespmem:$0xF0];
	_ =	sdelay $0x4  }
0xca: {  	v6 =	vshll.u32 v5, $0x1  }
0xcb: {  	v5 =	vand.u32 $0x7, v5;
	v6 =	vand.u32 $0xFFFFFFF0, v6  }
0xcc: {  	v5 =	vor.u32 v5, v6  }
0xcd: {  	v6 =	vperm.xlane v5, v0;
	_ =	sdelay $0x1  }
0xce: {  	v5 =	vperm.xlane v5, v2;
	v6 =	vadd.s32 v1, v6;
	_ =	sdelay $0x1  }
0xcf: {  	v5 =	vadd.s32 v1, v5;
	_ =	sdelay $0x2  }
0xd0: {  	[tilespmem:s19], [sflag:$0x1] =	stream.indirect_vreg.gather [hbm4b:s1+s4], $0x80, v6, vm0, $0xb8;
	[tilespmem:$0x10600] =	vst v63  }
0xd1: {  	_ = 	snop  }
0xd2: {  	[tilespmem:s20], [sflag:$0x1] =	stream.indirect_vreg.gather [hbm4b:s1+s4], $0x80, v5, vm0, $0xb8;
	[tilespmem:$0x10600] =	vst v63  }
0xd3: {  	_ =	swait.ge [sflag:s21], $0x8000  }
0xd4: {  	[sflag:s21] =	ssyncset.done $0x0  }
0xd5: {  	[sflag:s21] =	ssyncadd.s32 $0xFFFF8000  }
0xd6: {  	_ =	swait.ge [sflag:s21], $0x8000  }
0xd7: {  	[sflag:s21] =	ssyncset.done $0x0  }
0xd8: {  	[sflag:s21] =	ssyncadd.s32 $0xFFFF8000  }
0xd9: {  	[hbm4b:s5+s4] =	stream.linear.scatter [tilespmem:s9], [sflag:$0x2], $0x8000, $0x38;
	[tilespmem:$0x10600] =	vst v63  }
0xda: {  	_ =	swait.ge [sflag:s8], $0x8000  }
0xdb: {  	[sflag:s8] =	ssyncset.done $0x0  }
0xdc: {  	s30 =	rddreg [dreg:$0x6];
	[sflag:s8] =	ssyncadd.s32 $0xFFFF8000  }
0xdd: {  	[hbm4b:s30+s4] =	stream.linear.scatter [tilespmem:s10], [sflag:$0x2], $0x8000, $0x38;
	[tilespmem:$0x10600] =	vst v63  }
0xde: {  	_ =	swait.ge [sflag:s8], $0x8000  }
0xdf: {  	[sflag:s8] =	ssyncset.done $0x0  }
0xe0: {  	[sflag:s8] =	ssyncadd.s32 $0xFFFF8000  }
0xe1: {  	[tilespmem:$0x10200] =	vst v3  }
0xe2: {  	[tilespmem:$0x10210] =	vst v3  }
0xe3: {  	[tilespmem:$0x10220] =	vst v3  }
0xe4: {  	[tilespmem:$0x10230] =	vst v3  }
0xe5: {  	[tilespmem:$0x10240] =	vst v3  }
0xe6: {  	[tilespmem:$0x10250] =	vst v3  }
0xe7: {  	[tilespmem:$0x10260] =	vst v3  }
0xe8: {  	[tilespmem:$0x10270] =	vst v3  }
0xe9: {  	[tilespmem:$0x10280] =	vst v3  }
0xea: {  	[tilespmem:$0x10290] =	vst v3  }
0xeb: {  	[tilespmem:$0x102A0] =	vst v3  }
0xec: {  	[tilespmem:$0x102B0] =	vst v3  }
0xed: {  	[tilespmem:$0x102C0] =	vst v3  }
0xee: {  	[tilespmem:$0x102D0] =	vst v3  }
0xef: {  	[tilespmem:$0x102E0] =	vst v3  }
0xf0: {  	[tilespmem:$0x102F0] =	vst v3  }
0xf1: {  	[tilespmem:$0x10300] =	vst v3  }
0xf2: {  	[tilespmem:$0x10310] =	vst v3  }
0xf3: {  	[tilespmem:$0x10320] =	vst v3  }
0xf4: {  	[tilespmem:$0x10330] =	vst v3  }
0xf5: {  	[tilespmem:$0x10340] =	vst v3  }
0xf6: {  	[tilespmem:$0x10350] =	vst v3  }
0xf7: {  	[tilespmem:$0x10360] =	vst v3  }
0xf8: {  	[tilespmem:$0x10370] =	vst v3  }
0xf9: {  	[tilespmem:$0x10380] =	vst v3  }
0xfa: {  	[tilespmem:$0x10390] =	vst v3  }
0xfb: {  	[tilespmem:$0x103A0] =	vst v3  }
0xfc: {  	[tilespmem:$0x103B0] =	vst v3  }
0xfd: {  	[tilespmem:$0x103C0] =	vst v3  }
0xfe: {  	[tilespmem:$0x103D0] =	vst v3  }
0xff: {  	[tilespmem:$0x103E0] =	vst v3  }
0x100: {  	[tilespmem:$0x103F0] =	vst v3  }
0x101: {  	[spmem:s6] =	stream.linear.scatter [tilespmem:s22], [sflag:$0x2], $0x200, $0x38;
	[tilespmem:$0x10600] =	vst v63  }
0x102: {  	_ =	swait.ge [sflag:s8], $0x200  }
0x103: {  	[sflag:s8] =	ssyncset.done $0x0  }
0x104: {  	[sflag:s8] =	ssyncadd.s32 $0xFFFFFE00  }
0x105: {  	[tilespmem:$0x10100] =	vst v4  }
0x106: {  	[tilespmem:$0x10110] =	vst v4  }
0x107: {  	[tilespmem:$0x10120] =	vst v4  }
0x108: {  	[tilespmem:$0x10130] =	vst v4  }
0x109: {  	[tilespmem:$0x10140] =	vst v4  }
0x10a: {  	[tilespmem:$0x10150] =	vst v4  }
0x10b: {  	[tilespmem:$0x10160] =	vst v4  }
0x10c: {  	[tilespmem:$0x10170] =	vst v4  }
0x10d: {  	[tilespmem:$0x10180] =	vst v4  }
0x10e: {  	[tilespmem:$0x10190] =	vst v4  }
0x10f: {  	[tilespmem:$0x101A0] =	vst v4  }
0x110: {  	[tilespmem:$0x101B0] =	vst v4  }
0x111: {  	[tilespmem:$0x101C0] =	vst v4  }
0x112: {  	[tilespmem:$0x101D0] =	vst v4  }
0x113: {  	[tilespmem:$0x101E0] =	vst v4  }
0x114: {  	[tilespmem:$0x101F0] =	vst v4  }
0x115: {  	[bflag:$0x0] =	sbarrier.arrive $0xFFFF  }
0x116: {  	[spmem:s3] =	stream.indirect.scatter.add.f32 [tilespmem:s24], [sflag:$0x2], $0x1, s4, s23, $0xb8;
	[tilespmem:$0x10600] =	vst v63  }
0x117: {  	_ =	swait.ge [sflag:s8], $0x80  }
0x118: {  	[sflag:s8] =	ssyncset.done $0x0  }
0x119: {  	[sflag:s8] =	ssyncadd.s32 $0xFFFFFF80  }
0x11a: {  	[spmem:s3] =	stream.indirect.scatter.add.f32 [tilespmem:s25], [sflag:$0x2], $0x1, s23, s23, $0xb8;
	[tilespmem:$0x10600] =	vst v63  }
0x11b: {  	_ =	swait.ge [sflag:s8], $0x80  }
0x11c: {  	[sflag:s8] =	ssyncset.done $0x0  }
0x11d: {  	s31 =	sshll.u32 s2, $0x6;
	[sflag:s8] =	ssyncadd.s32 $0xFFFFFF80  }
0x11e: {  	p0 =	sne.s32 s7, $0x1;
	s30 =	sor.u32 $0x1C02, s31;
	[bflag:$0x0] =	sbarrier.arrive $0xFFFF  }
.Ltmp0:
0x11f: {  	s31 =	sshrl.u32 s6, $0x3;
	s29 =	rddreg [dreg:$0x7];
	(pc) =	sbr.rel @p0 .LBB2_1-.Ltmp0, $4  }
0x120: {  	[hbm:s29@s26], [sflag:s30] =	dma.strided [spmem:s31@s28], $0x40, s21, $0x10   }
0x121: {  	_ =	swait.ge [sflag:s8], $0x40  }
0x122: {  	[sflag:s8] =	ssyncset.done $0x0  }
0x123: {  	s7 =	sadd.s32 $0xFFFFFFFF, s7;
	[sflag:s8] =	ssyncadd.s32 $0xFFFFFFC0  }
0x124: {  	_ =	sfence.sel $0x180000  }
0x125: {  	[bflag:$0x0] =	sbarrier.arrive $0xFFFF  }
0x126: {  	p0 =	sne.s32 s2, $0x0;
	_ =	strace $0x90000047  }
0x127: {  	s0 =	sadd.s32 @!p0 $0x100000, s0;
	[bflag:$0x2] =	sbarrier.arrive $0xFFFF  }
0x128: {  	[sflag:s0] =	ssyncadd.tile.s32 @!p0 $0x1;
	_ =	shalt  }
.Lfunc_end2:
_tile_overlayer_lowered:
.L_overlay_start_2:
0x129: {  	(tag) =	ssettag $0x2  }
0x12a: {  	s0 =	rddreg [dreg:$0x0];
	s2 =	stileid.u32  }
0x12b: {  	s1 =	rddreg [dreg:$0x1];
	p0 =	sne.s32 s2, $0x0  }
0x12c: {  	s3 =	rddreg [dreg:$0x2];
	[bflag:$0x3] =	sbarrier.arrive $0xFFFF;
	s2 =	simm.s32 @!p0 $0x1C02  }
0x12d: {  	[timem:s3], [sflag:s2] =	dma.local @!p0 [hbm:s0], s1  }
0x12e: {  	s0 =	simm.s32 @!p0 $0x2  }
0x12f: {  	_ =	swait.ge @!p0 [sflag:s0], s1  }
0x130: {  	s1 =	ssub.s32 @!p0 $0x0, s1;
	[sflag:s0] =	ssyncset.done @!p0 $0x0  }
0x131: {  	[sflag:s0] =	ssyncadd.s32 @!p0 s1  }
0x132: {  	[bflag:$0x3] =	sbarrier.arrive $0xFFFF  }
0x133: {  	_ =	shalt  }

</sc_bundles>
